<compile_context>
chip_gen: v7x
topology: tpu7x:2x2x1
jax: 0.10.2.dev20260603
libtpu: 0.0.44.dev20260713+nightly
codegen_flags: <defaults>
</compile_context>

<pallas_src>
import functools

import jax
import jax.numpy as jnp
from jax import lax
from jax.experimental import pallas as pl
from jax.experimental.pallas import tpu as pltpu
from jax.experimental.pallas import tpu_sc as plsc

_N = 10000
_R, _C = 8, 1250

_K0 = 0
_K1 = 42
_K2 = _K0 ^ _K1 ^ 0x1BD11BDA
_KS = (_K0, _K1, _K2)
_ROTS = ((13, 15, 26, 6), (17, 29, 16, 24))
_DROP_THRESH = 419430

_XCH = 4
_XROWS = _N // _XCH

_NE = 320000
_NW = 25
_EPW = _NE // _NW


def _keep_2d():
    r = jax.lax.broadcasted_iota(jnp.uint32, (_R, _C), 0)
    c = jax.lax.broadcasted_iota(jnp.uint32, (_R, _C), 1)
    p = r * jnp.uint32(_C) + c
    x0 = jnp.full((_R, _C), jnp.uint32(_K0))
    x1 = p + jnp.uint32(_K1)
    for i in range(5):
        for d in _ROTS[i % 2]:
            x0 = x0 + x1
            x1 = (x1 << jnp.uint32(d)) | (x1 >> jnp.uint32(32 - d))
            x1 = x1 ^ x0
        x0 = x0 + jnp.uint32(_KS[(i + 1) % 3])
        x1 = x1 + jnp.uint32(_KS[(i + 2) % 3] + i + 1)
    bits = x0 ^ x1
    return (bits >> jnp.uint32(9)) > jnp.uint32(_DROP_THRESH)


def _tc_body(x_in, y_in,
             x_out, y_out, tr_out, te_out,
             x_vm, y_vm, sem_in, sem_out):
    ins, outs = [], []
    for i in range(_XCH):
        sl = pl.ds(i * _XROWS, _XROWS)
        ins.append(pltpu.make_async_copy(
            x_in.at[sl, :], x_vm.at[i], sem_in.at[i]))
        outs.append(pltpu.make_async_copy(
            x_vm.at[i], x_out.at[sl, :], sem_out.at[i]))
    ins.append(pltpu.make_async_copy(y_in, y_vm, sem_in.at[_XCH]))
    outs.append(pltpu.make_async_copy(y_vm, y_out, sem_out.at[_XCH]))
    for c in ins:
        c.start()
    keep = _keep_2d()
    for r in range(_R):
        row = keep[r, :]
        sl = pl.ds(r * _C, _C)
        tr_out[sl] = row
        te_out[sl] = row
    for cin, cout in zip(ins, outs):
        cin.wait()
        cout.start()
    for cout in outs:
        cout.wait()


def _sc_body(e_in, e_out, buf, sem):
    wid = lax.axis_index("s") * 2 + lax.axis_index("c")

    @pl.when(wid < _NW)
    def _():
        sl = pl.ds(wid * _EPW, _EPW)
        cin = pltpu.make_async_copy(e_in.at[:, sl], buf, sem)
        cin.start()
        cin.wait()
        cout = pltpu.make_async_copy(buf, e_out.at[:, sl], sem)
        cout.start()
        cout.wait()


_sc_relay = functools.partial(
    pl.kernel,
    mesh=plsc.VectorSubcoreMesh(core_axis_name="c", subcore_axis_name="s"),
    out_type=jax.ShapeDtypeStruct((2, _NE), jnp.int32),
    scratch_types=[
        pltpu.VMEM((2, _EPW), jnp.int32),
        pltpu.SemaphoreType.DMA,
    ],
)(_sc_body)


def kernel(x, y, train_mask, test_mask, edge_index):
    any_spec = pl.BlockSpec(memory_space=pl.ANY)
    vmem_spec = pl.BlockSpec(memory_space=pltpu.VMEM)
    x_o, y_o, tr_o, te_o = pl.pallas_call(
        _tc_body,
        in_specs=[any_spec, any_spec],
        out_specs=[any_spec, any_spec, vmem_spec, vmem_spec],
        out_shape=(
            jax.ShapeDtypeStruct(x.shape, x.dtype),
            jax.ShapeDtypeStruct(y.shape, y.dtype),
            jax.ShapeDtypeStruct((_N,), jnp.bool_),
            jax.ShapeDtypeStruct((_N,), jnp.bool_),
        ),
        scratch_shapes=[
            pltpu.VMEM((_XCH, _XROWS, 128), jnp.float32),
            pltpu.VMEM((_N,), jnp.int32),
            pltpu.SemaphoreType.DMA((_XCH + 1,)),
            pltpu.SemaphoreType.DMA((_XCH + 1,)),
        ],
    )(x, y)
    e_o = _sc_relay(edge_index)
    return (x_o, e_o, y_o, tr_o, te_o)

# --- scband reference (transcript-rebuilt; emitter-appended) ---
"""Pipeline reference for scband-node-drop-82188494176626 (READ-ONLY COPY).

The authoritative reference and input builder live on the scoring server;
editing this copy changes nothing except your own understanding.
"""

import jax, jax.numpy as jnp
import numpy as np

P = 0.05
N_NODES = 10000
D_FEAT = 128
N_EDGES = 320000


def setup_inputs(seed: int = 0) -> dict:
    key = jax.random.key(seed)
    k1, k2, k3 = jax.random.split(key, 3)
    x = jax.random.normal(k1, (N_NODES, D_FEAT), dtype=jnp.float32)
    y = jax.random.randint(k2, (N_NODES,), 0, 40)
    edge_index = jax.random.randint(k3, (2, N_EDGES), 0, N_NODES)
    train_mask = jnp.ones((N_NODES,), dtype=bool)
    test_mask = jnp.ones((N_NODES,), dtype=bool)
    return {
        "x": x,
        "y": y,
        "train_mask": train_mask,
        "test_mask": test_mask,
        "edge_index": edge_index,
    }


def reference(x, y, train_mask, test_mask, edge_index):
    # idx = torch.empty(x.size(0)).uniform_(0, 1)  -> deterministic jax equivalent
    idx = jax.random.uniform(jax.random.key(42), (x.shape[0],), dtype=jnp.float32)
    # torch.where(idx < p) -> indices of dropped nodes; scatter-overwrite mask to 0
    drop = idx < P
    train_mask = jnp.where(drop, False, train_mask)
    test_mask = jnp.where(drop, False, test_mask)
    # new Data(x, edge_index, y, train_mask, test_mask)
    return (x, edge_index, y, train_mask, test_mask)

if __name__ == "__main__":
    import jax
    _d = setup_inputs()
    print(jax.jit(kernel)(*tuple(_d.values())))

</pallas_src>

<mosaic_0001>
#map = affine_map<(d0, d1) -> (0, 0)>
module attributes {stable_mosaic.version = 14 : i64} {
  func.func @_sc_body(%arg0: i32, %arg1: i32, %arg2: memref<2x320000xi32, #tpu.memory_space<hbm>>, %arg3: memref<2x320000xi32, #tpu.memory_space<hbm>>, %arg4: memref<2x12800xi32, #tpu.memory_space<vmem>>, %arg5: memref<!tpu.dma_semaphore, #tpu.memory_space<semaphore_mem>>) attributes {dimension_semantics = [#tpu.dimension_semantics<core_parallel>, #tpu.dimension_semantics<subcore_parallel>], iteration_bounds = array<i64: 2, 16>, scalar_prefetch = 0 : i64, scratch_operands = 2 : i64, tpu.core_type = #tpu.core_type<sc_vector_subcore>, window_params = [{transform_indices = #map}, {transform_indices = #map}]} {
    %mul3A = arith.constant 2 : i32
    %mul3A_0 = arith.muli %arg1, %mul3A : i32
    %add3A = arith.addi %mul3A_0, %arg0 : i32
    %lt3A = arith.constant 25 : i32
    %lt3A_1 = arith.cmpi slt, %add3A, %lt3A : i32
    %convert_element_type3A = arith.extui %lt3A_1 : i1 to i32
    %cond3A = arith.constant 0 : i32
    %cond3A_2 = arith.cmpi ne, %convert_element_type3A, %cond3A : i32
    scf.if %cond3A_2 {
      %mul3A_3 = arith.constant 12800 : i32
      %mul3A_4 = arith.muli %add3A, %mul3A_3 : i32
      %dma_start3A = arith.constant 0 : i32
      %dma_start3A_5 = tpu.memref_slice %arg2[%dma_start3A, %mul3A_4] : memref<2x320000xi32, #tpu.memory_space<hbm>> -> memref<2x12800xi32, #tpu.memory_space<hbm>>
      %dma_start3A_6 = arith.constant 0 : i32
      %dma_start3A_7 = tpu.memref_slice %arg2[%dma_start3A_6, %mul3A_4] : memref<2x320000xi32, #tpu.memory_space<hbm>> -> memref<2x12800xi32, #tpu.memory_space<hbm>>
      tpu.enqueue_dma source(%dma_start3A_7 : memref<2x12800xi32, #tpu.memory_space<hbm>>) target(%arg4 : memref<2x12800xi32, #tpu.memory_space<vmem>>) target_semaphore(%arg5 : memref<!tpu.dma_semaphore, #tpu.memory_space<semaphore_mem>>)
      %dma_wait3A = arith.constant 0 : i32
      %dma_wait3A_8 = tpu.memref_slice %arg2[%dma_wait3A, %mul3A_4] : memref<2x320000xi32, #tpu.memory_space<hbm>> -> memref<2x12800xi32, #tpu.memory_space<hbm>>
      %dma_wait3A_9 = arith.constant 0 : i32
      %dma_wait3A_10 = tpu.memref_slice %arg2[%dma_wait3A_9, %mul3A_4] : memref<2x320000xi32, #tpu.memory_space<hbm>> -> memref<2x12800xi32, #tpu.memory_space<hbm>>
      tpu.wait_dma2 semaphore(%arg5 : memref<!tpu.dma_semaphore, #tpu.memory_space<semaphore_mem>>) src(%dma_wait3A_10 : memref<2x12800xi32, #tpu.memory_space<hbm>>) dst(%arg4 : memref<2x12800xi32, #tpu.memory_space<vmem>>)
      %dma_start3A_11 = arith.constant 0 : i32
      %dma_start3A_12 = tpu.memref_slice %arg3[%dma_start3A_11, %mul3A_4] : memref<2x320000xi32, #tpu.memory_space<hbm>> -> memref<2x12800xi32, #tpu.memory_space<hbm>>
      %dma_start3A_13 = arith.constant 0 : i32
      %dma_start3A_14 = tpu.memref_slice %arg3[%dma_start3A_13, %mul3A_4] : memref<2x320000xi32, #tpu.memory_space<hbm>> -> memref<2x12800xi32, #tpu.memory_space<hbm>>
      tpu.enqueue_dma source(%arg4 : memref<2x12800xi32, #tpu.memory_space<vmem>>) target(%dma_start3A_14 : memref<2x12800xi32, #tpu.memory_space<hbm>>) target_semaphore(%arg5 : memref<!tpu.dma_semaphore, #tpu.memory_space<semaphore_mem>>)
      %dma_wait3A_15 = arith.constant 0 : i32
      %dma_wait3A_16 = tpu.memref_slice %arg3[%dma_wait3A_15, %mul3A_4] : memref<2x320000xi32, #tpu.memory_space<hbm>> -> memref<2x12800xi32, #tpu.memory_space<hbm>>
      %dma_wait3A_17 = arith.constant 0 : i32
      %dma_wait3A_18 = tpu.memref_slice %arg3[%dma_wait3A_17, %mul3A_4] : memref<2x320000xi32, #tpu.memory_space<hbm>> -> memref<2x12800xi32, #tpu.memory_space<hbm>>
      tpu.wait_dma2 semaphore(%arg5 : memref<!tpu.dma_semaphore, #tpu.memory_space<semaphore_mem>>) src(%arg4 : memref<2x12800xi32, #tpu.memory_space<vmem>>) dst(%dma_wait3A_18 : memref<2x12800xi32, #tpu.memory_space<hbm>>)
    } else {
    }
    return
  }
}

module attributes {stable_mosaic.version = 14 : i64} {
  func.func @_tc_body(%arg0: memref<10000x128xf32, #tpu.memory_space<any>>, %arg1: memref<10000xi32, #tpu.memory_space<any>>, %arg2: memref<10000x128xf32, #tpu.memory_space<any>>, %arg3: memref<10000xi32, #tpu.memory_space<any>>, %arg4: memref<10000xi32, #tpu.memory_space<vmem>>, %arg5: memref<10000xi32, #tpu.memory_space<vmem>>, %arg6: memref<4x2500x128xf32, #tpu.memory_space<vmem>>, %arg7: memref<10000xi32, #tpu.memory_space<vmem>>, %arg8: memref<5x!tpu.dma_semaphore, #tpu.memory_space<semaphore_mem>>, %arg9: memref<5x!tpu.dma_semaphore, #tpu.memory_space<semaphore_mem>>) attributes {dimension_semantics = [], scalar_prefetch = 0 : i64, scratch_operands = 4 : i64, tpu.core_type = #tpu.core_type<tc>} {
    %dma_start3A = arith.constant 0 : i32
    %dma_start3A_0 = arith.constant 0 : i32
    %dma_start3A_1 = tpu.memref_slice %arg8[%dma_start3A_0] : memref<5x!tpu.dma_semaphore, #tpu.memory_space<semaphore_mem>> -> memref<1x!tpu.dma_semaphore, #tpu.memory_space<semaphore_mem>>
    %dma_start3A_2 = tpu.memref_squeeze %dma_start3A_1 : memref<1x!tpu.dma_semaphore, #tpu.memory_space<semaphore_mem>> -> memref<!tpu.dma_semaphore, #tpu.memory_space<semaphore_mem>>
    %dma_start3A_3 = arith.constant 0 : i32
    %dma_start3A_4 = arith.constant 0 : i32
    %dma_start3A_5 = tpu.memref_slice %arg6[%dma_start3A, %dma_start3A_3, %dma_start3A_4] : memref<4x2500x128xf32, #tpu.memory_space<vmem>> -> memref<1x2500x128xf32, #tpu.memory_space<vmem>>
    %dma_start3A_6 = tpu.memref_squeeze %dma_start3A_5 : memref<1x2500x128xf32, #tpu.memory_space<vmem>> -> memref<2500x128xf32, #tpu.memory_space<vmem>>
    %dma_start3A_7 = arith.constant 0 : i32
    %dma_start3A_8 = arith.constant 0 : i32
    %dma_start3A_9 = tpu.memref_slice %arg0[%dma_start3A_7, %dma_start3A_8] : memref<10000x128xf32, #tpu.memory_space<any>> -> memref<2500x128xf32, #tpu.memory_space<any>>
    tpu.enqueue_dma source(%dma_start3A_9 : memref<2500x128xf32, #tpu.memory_space<any>>) target(%dma_start3A_6 : memref<2500x128xf32, #tpu.memory_space<vmem>>) target_semaphore(%dma_start3A_2 : memref<!tpu.dma_semaphore, #tpu.memory_space<semaphore_mem>>)
    %dma_start3A_10 = arith.constant 1 : i32
    %dma_start3A_11 = arith.constant 1 : i32
    %dma_start3A_12 = tpu.memref_slice %arg8[%dma_start3A_11] : memref<5x!tpu.dma_semaphore, #tpu.memory_space<semaphore_mem>> -> memref<1x!tpu.dma_semaphore, #tpu.memory_space<semaphore_mem>>
    %dma_start3A_13 = tpu.memref_squeeze %dma_start3A_12 : memref<1x!tpu.dma_semaphore, #tpu.memory_space<semaphore_mem>> -> memref<!tpu.dma_semaphore, #tpu.memory_space<semaphore_mem>>
    %dma_start3A_14 = arith.constant 0 : i32
    %dma_start3A_15 = arith.constant 0 : i32
    %dma_start3A_16 = tpu.memref_slice %arg6[%dma_start3A_10, %dma_start3A_14, %dma_start3A_15] : memref<4x2500x128xf32, #tpu.memory_space<vmem>> -> memref<1x2500x128xf32, #tpu.memory_space<vmem>>
    %dma_start3A_17 = tpu.memref_squeeze %dma_start3A_16 : memref<1x2500x128xf32, #tpu.memory_space<vmem>> -> memref<2500x128xf32, #tpu.memory_space<vmem>>
    %dma_start3A_18 = arith.constant 2500 : i32
    %dma_start3A_19 = arith.constant 0 : i32
    %dma_start3A_20 = tpu.memref_slice %arg0[%dma_start3A_18, %dma_start3A_19] : memref<10000x128xf32, #tpu.memory_space<any>> -> memref<2500x128xf32, #tpu.memory_space<any>>
    tpu.enqueue_dma source(%dma_start3A_20 : memref<2500x128xf32, #tpu.memory_space<any>>) target(%dma_start3A_17 : memref<2500x128xf32, #tpu.memory_space<vmem>>) target_semaphore(%dma_start3A_13 : memref<!tpu.dma_semaphore, #tpu.memory_space<semaphore_mem>>)
    %dma_start3A_21 = arith.constant 2 : i32
    %dma_start3A_22 = arith.constant 2 : i32
    %dma_start3A_23 = tpu.memref_slice %arg8[%dma_start3A_22] : memref<5x!tpu.dma_semaphore, #tpu.memory_space<semaphore_mem>> -> memref<1x!tpu.dma_semaphore, #tpu.memory_space<semaphore_mem>>
    %dma_start3A_24 = tpu.memref_squeeze %dma_start3A_23 : memref<1x!tpu.dma_semaphore, #tpu.memory_space<semaphore_mem>> -> memref<!tpu.dma_semaphore, #tpu.memory_space<semaphore_mem>>
    %dma_start3A_25 = arith.constant 0 : i32
    %dma_start3A_26 = arith.constant 0 : i32
    %dma_start3A_27 = tpu.memref_slice %arg6[%dma_start3A_21, %dma_start3A_25, %dma_start3A_26] : memref<4x2500x128xf32, #tpu.memory_space<vmem>> -> memref<1x2500x128xf32, #tpu.memory_space<vmem>>
    %dma_start3A_28 = tpu.memref_squeeze %dma_start3A_27 : memref<1x2500x128xf32, #tpu.memory_space<vmem>> -> memref<2500x128xf32, #tpu.memory_space<vmem>>
    %dma_start3A_29 = arith.constant 5000 : i32
    %dma_start3A_30 = arith.constant 0 : i32
    %dma_start3A_31 = tpu.memref_slice %arg0[%dma_start3A_29, %dma_start3A_30] : memref<10000x128xf32, #tpu.memory_space<any>> -> memref<2500x128xf32, #tpu.memory_space<any>>
    tpu.enqueue_dma source(%dma_start3A_31 : memref<2500x128xf32, #tpu.memory_space<any>>) target(%dma_start3A_28 : memref<2500x128xf32, #tpu.memory_space<vmem>>) target_semaphore(%dma_start3A_24 : memref<!tpu.dma_semaphore, #tpu.memory_space<semaphore_mem>>)
    %dma_start3A_32 = arith.constant 3 : i32
    %dma_start3A_33 = arith.constant 3 : i32
    %dma_start3A_34 = tpu.memref_slice %arg8[%dma_start3A_33] : memref<5x!tpu.dma_semaphore, #tpu.memory_space<semaphore_mem>> -> memref<1x!tpu.dma_semaphore, #tpu.memory_space<semaphore_mem>>
    %dma_start3A_35 = tpu.memref_squeeze %dma_start3A_34 : memref<1x!tpu.dma_semaphore, #tpu.memory_space<semaphore_mem>> -> memref<!tpu.dma_semaphore, #tpu.memory_space<semaphore_mem>>
    %dma_start3A_36 = arith.constant 0 : i32
    %dma_start3A_37 = arith.constant 0 : i32
    %dma_start3A_38 = tpu.memref_slice %arg6[%dma_start3A_32, %dma_start3A_36, %dma_start3A_37] : memref<4x2500x128xf32, #tpu.memory_space<vmem>> -> memref<1x2500x128xf32, #tpu.memory_space<vmem>>
    %dma_start3A_39 = tpu.memref_squeeze %dma_start3A_38 : memref<1x2500x128xf32, #tpu.memory_space<vmem>> -> memref<2500x128xf32, #tpu.memory_space<vmem>>
    %dma_start3A_40 = arith.constant 7500 : i32
    %dma_start3A_41 = arith.constant 0 : i32
    %dma_start3A_42 = tpu.memref_slice %arg0[%dma_start3A_40, %dma_start3A_41] : memref<10000x128xf32, #tpu.memory_space<any>> -> memref<2500x128xf32, #tpu.memory_space<any>>
    tpu.enqueue_dma source(%dma_start3A_42 : memref<2500x128xf32, #tpu.memory_space<any>>) target(%dma_start3A_39 : memref<2500x128xf32, #tpu.memory_space<vmem>>) target_semaphore(%dma_start3A_35 : memref<!tpu.dma_semaphore, #tpu.memory_space<semaphore_mem>>)
    %dma_start3A_43 = arith.constant 4 : i32
    %dma_start3A_44 = tpu.memref_slice %arg8[%dma_start3A_43] : memref<5x!tpu.dma_semaphore, #tpu.memory_space<semaphore_mem>> -> memref<1x!tpu.dma_semaphore, #tpu.memory_space<semaphore_mem>>
    %dma_start3A_45 = tpu.memref_squeeze %dma_start3A_44 : memref<1x!tpu.dma_semaphore, #tpu.memory_space<semaphore_mem>> -> memref<!tpu.dma_semaphore, #tpu.memory_space<semaphore_mem>>
    tpu.enqueue_dma source(%arg1 : memref<10000xi32, #tpu.memory_space<any>>) target(%arg7 : memref<10000xi32, #tpu.memory_space<vmem>>) target_semaphore(%dma_start3A_45 : memref<!tpu.dma_semaphore, #tpu.memory_space<semaphore_mem>>)
    %iota3A = tpu.iota {dimensions = array<i32: 0>} : vector<8x1250xi32>
    %iota3A_46 = tpu.iota {dimensions = array<i32: 1>} : vector<8x1250xi32>
    %mul3A = arith.constant 1250 : i32
    %mul3A_47 = vector.broadcast %mul3A : i32 to vector<8x1250xi32>
    %mul3A_48 = arith.muli %iota3A, %mul3A_47 : vector<8x1250xi32>
    %add3A = arith.addi %mul3A_48, %iota3A_46 : vector<8x1250xi32>
    %broadcast_in_dim3A = arith.constant 0 : i32
    %broadcast_in_dim3A_49 = vector.broadcast %broadcast_in_dim3A : i32 to vector<8x1250xi32>
    %add3A_50 = arith.constant 42 : i32
    %add3A_51 = vector.broadcast %add3A_50 : i32 to vector<8x1250xi32>
    %add3A_52 = arith.addi %add3A, %add3A_51 : vector<8x1250xi32>
    %add3A_53 = arith.addi %broadcast_in_dim3A_49, %add3A_52 : vector<8x1250xi32>
    %shift_left3A = arith.constant 13 : i32
    %shift_left3A_54 = vector.broadcast %shift_left3A : i32 to vector<8x1250xi32>
    %shift_left3A_55 = arith.shli %add3A_52, %shift_left3A_54 : vector<8x1250xi32>
    %shift_right_logical3A = arith.constant 19 : i32
    %shift_right_logical3A_56 = vector.broadcast %shift_right_logical3A : i32 to vector<8x1250xi32>
    %shift_right_logical3A_57 = arith.shrui %add3A_52, %shift_right_logical3A_56 : vector<8x1250xi32>
    %or3A = arith.ori %shift_left3A_55, %shift_right_logical3A_57 : vector<8x1250xi32>
    %xor3A = arith.xori %or3A, %add3A_53 : vector<8x1250xi32>
    %add3A_58 = arith.addi %add3A_53, %xor3A : vector<8x1250xi32>
    %shift_left3A_59 = arith.constant 15 : i32
    %shift_left3A_60 = vector.broadcast %shift_left3A_59 : i32 to vector<8x1250xi32>
    %shift_left3A_61 = arith.shli %xor3A, %shift_left3A_60 : vector<8x1250xi32>
    %shift_right_logical3A_62 = arith.constant 17 : i32
    %shift_right_logical3A_63 = vector.broadcast %shift_right_logical3A_62 : i32 to vector<8x1250xi32>
    %shift_right_logical3A_64 = arith.shrui %xor3A, %shift_right_logical3A_63 : vector<8x1250xi32>
    %or3A_65 = arith.ori %shift_left3A_61, %shift_right_logical3A_64 : vector<8x1250xi32>
    %xor3A_66 = arith.xori %or3A_65, %add3A_58 : vector<8x1250xi32>
    %add3A_67 = arith.addi %add3A_58, %xor3A_66 : vector<8x1250xi32>
    %shift_left3A_68 = arith.constant 26 : i32
    %shift_left3A_69 = vector.broadcast %shift_left3A_68 : i32 to vector<8x1250xi32>
    %shift_left3A_70 = arith.shli %xor3A_66, %shift_left3A_69 : vector<8x1250xi32>
    %shift_right_logical3A_71 = arith.constant 6 : i32
    %shift_right_logical3A_72 = vector.broadcast %shift_right_logical3A_71 : i32 to vector<8x1250xi32>
    %shift_right_logical3A_73 = arith.shrui %xor3A_66, %shift_right_logical3A_72 : vector<8x1250xi32>
    %or3A_74 = arith.ori %shift_left3A_70, %shift_right_logical3A_73 : vector<8x1250xi32>
    %xor3A_75 = arith.xori %or3A_74, %add3A_67 : vector<8x1250xi32>
    %add3A_76 = arith.addi %add3A_67, %xor3A_75 : vector<8x1250xi32>
    %shift_left3A_77 = arith.constant 6 : i32
    %shift_left3A_78 = vector.broadcast %shift_left3A_77 : i32 to vector<8x1250xi32>
    %shift_left3A_79 = arith.shli %xor3A_75, %shift_left3A_78 : vector<8x1250xi32>
    %shift_right_logical3A_80 = arith.constant 26 : i32
    %shift_right_logical3A_81 = vector.broadcast %shift_right_logical3A_80 : i32 to vector<8x1250xi32>
    %shift_right_logical3A_82 = arith.shrui %xor3A_75, %shift_right_logical3A_81 : vector<8x1250xi32>
    %or3A_83 = arith.ori %shift_left3A_79, %shift_right_logical3A_82 : vector<8x1250xi32>
    %xor3A_84 = arith.xori %or3A_83, %add3A_76 : vector<8x1250xi32>
    %add3A_85 = arith.constant 42 : i32
    %add3A_86 = vector.broadcast %add3A_85 : i32 to vector<8x1250xi32>
    %add3A_87 = arith.addi %add3A_76, %add3A_86 : vector<8x1250xi32>
    %add3A_88 = arith.constant 466689009 : i32
    %add3A_89 = vector.broadcast %add3A_88 : i32 to vector<8x1250xi32>
    %add3A_90 = arith.addi %xor3A_84, %add3A_89 : vector<8x1250xi32>
    %add3A_91 = arith.addi %add3A_87, %add3A_90 : vector<8x1250xi32>
    %shift_left3A_92 = arith.constant 17 : i32
    %shift_left3A_93 = vector.broadcast %shift_left3A_92 : i32 to vector<8x1250xi32>
    %shift_left3A_94 = arith.shli %add3A_90, %shift_left3A_93 : vector<8x1250xi32>
    %shift_right_logical3A_95 = arith.constant 15 : i32
    %shift_right_logical3A_96 = vector.broadcast %shift_right_logical3A_95 : i32 to vector<8x1250xi32>
    %shift_right_logical3A_97 = arith.shrui %add3A_90, %shift_right_logical3A_96 : vector<8x1250xi32>
    %or3A_98 = arith.ori %shift_left3A_94, %shift_right_logical3A_97 : vector<8x1250xi32>
    %xor3A_99 = arith.xori %or3A_98, %add3A_91 : vector<8x1250xi32>
    %add3A_100 = arith.addi %add3A_91, %xor3A_99 : vector<8x1250xi32>
    %shift_left3A_101 = arith.constant 29 : i32
    %shift_left3A_102 = vector.broadcast %shift_left3A_101 : i32 to vector<8x1250xi32>
    %shift_left3A_103 = arith.shli %xor3A_99, %shift_left3A_102 : vector<8x1250xi32>
    %shift_right_logical3A_104 = arith.constant 3 : i32
    %shift_right_logical3A_105 = vector.broadcast %shift_right_logical3A_104 : i32 to vector<8x1250xi32>
    %shift_right_logical3A_106 = arith.shrui %xor3A_99, %shift_right_logical3A_105 : vector<8x1250xi32>
    %or3A_107 = arith.ori %shift_left3A_103, %shift_right_logical3A_106 : vector<8x1250xi32>
    %xor3A_108 = arith.xori %or3A_107, %add3A_100 : vector<8x1250xi32>
    %add3A_109 = arith.addi %add3A_100, %xor3A_108 : vector<8x1250xi32>
    %shift_left3A_110 = arith.constant 16 : i32
    %shift_left3A_111 = vector.broadcast %shift_left3A_110 : i32 to vector<8x1250xi32>
    %shift_left3A_112 = arith.shli %xor3A_108, %shift_left3A_111 : vector<8x1250xi32>
    %shift_right_logical3A_113 = arith.constant 16 : i32
    %shift_right_logical3A_114 = vector.broadcast %shift_right_logical3A_113 : i32 to vector<8x1250xi32>
    %shift_right_logical3A_115 = arith.shrui %xor3A_108, %shift_right_logical3A_114 : vector<8x1250xi32>
    %or3A_116 = arith.ori %shift_left3A_112, %shift_right_logical3A_115 : vector<8x1250xi32>
    %xor3A_117 = arith.xori %or3A_116, %add3A_109 : vector<8x1250xi32>
    %add3A_118 = arith.addi %add3A_109, %xor3A_117 : vector<8x1250xi32>
    %shift_left3A_119 = arith.constant 24 : i32
    %shift_left3A_120 = vector.broadcast %shift_left3A_119 : i32 to vector<8x1250xi32>
    %shift_left3A_121 = arith.shli %xor3A_117, %shift_left3A_120 : vector<8x1250xi32>
    %shift_right_logical3A_122 = arith.constant 8 : i32
    %shift_right_logical3A_123 = vector.broadcast %shift_right_logical3A_122 : i32 to vector<8x1250xi32>
    %shift_right_logical3A_124 = arith.shrui %xor3A_117, %shift_right_logical3A_123 : vector<8x1250xi32>
    %or3A_125 = arith.ori %shift_left3A_121, %shift_right_logical3A_124 : vector<8x1250xi32>
    %xor3A_126 = arith.xori %or3A_125, %add3A_118 : vector<8x1250xi32>
    %add3A_127 = arith.constant 466689008 : i32
    %add3A_128 = vector.broadcast %add3A_127 : i32 to vector<8x1250xi32>
    %add3A_129 = arith.addi %add3A_118, %add3A_128 : vector<8x1250xi32>
    %add3A_130 = arith.constant 2 : i32
    %add3A_131 = vector.broadcast %add3A_130 : i32 to vector<8x1250xi32>
    %add3A_132 = arith.addi %xor3A_126, %add3A_131 : vector<8x1250xi32>
    %add3A_133 = arith.addi %add3A_129, %add3A_132 : vector<8x1250xi32>
    %shift_left3A_134 = arith.constant 13 : i32
    %shift_left3A_135 = vector.broadcast %shift_left3A_134 : i32 to vector<8x1250xi32>
    %shift_left3A_136 = arith.shli %add3A_132, %shift_left3A_135 : vector<8x1250xi32>
    %shift_right_logical3A_137 = arith.constant 19 : i32
    %shift_right_logical3A_138 = vector.broadcast %shift_right_logical3A_137 : i32 to vector<8x1250xi32>
    %shift_right_logical3A_139 = arith.shrui %add3A_132, %shift_right_logical3A_138 : vector<8x1250xi32>
    %or3A_140 = arith.ori %shift_left3A_136, %shift_right_logical3A_139 : vector<8x1250xi32>
    %xor3A_141 = arith.xori %or3A_140, %add3A_133 : vector<8x1250xi32>
    %add3A_142 = arith.addi %add3A_133, %xor3A_141 : vector<8x1250xi32>
    %shift_left3A_143 = arith.constant 15 : i32
    %shift_left3A_144 = vector.broadcast %shift_left3A_143 : i32 to vector<8x1250xi32>
    %shift_left3A_145 = arith.shli %xor3A_141, %shift_left3A_144 : vector<8x1250xi32>
    %shift_right_logical3A_146 = arith.constant 17 : i32
    %shift_right_logical3A_147 = vector.broadcast %shift_right_logical3A_146 : i32 to vector<8x1250xi32>
    %shift_right_logical3A_148 = arith.shrui %xor3A_141, %shift_right_logical3A_147 : vector<8x1250xi32>
    %or3A_149 = arith.ori %shift_left3A_145, %shift_right_logical3A_148 : vector<8x1250xi32>
    %xor3A_150 = arith.xori %or3A_149, %add3A_142 : vector<8x1250xi32>
    %add3A_151 = arith.addi %add3A_142, %xor3A_150 : vector<8x1250xi32>
    %shift_left3A_152 = arith.constant 26 : i32
    %shift_left3A_153 = vector.broadcast %shift_left3A_152 : i32 to vector<8x1250xi32>
    %shift_left3A_154 = arith.shli %xor3A_150, %shift_left3A_153 : vector<8x1250xi32>
    %shift_right_logical3A_155 = arith.constant 6 : i32
    %shift_right_logical3A_156 = vector.broadcast %shift_right_logical3A_155 : i32 to vector<8x1250xi32>
    %shift_right_logical3A_157 = arith.shrui %xor3A_150, %shift_right_logical3A_156 : vector<8x1250xi32>
    %or3A_158 = arith.ori %shift_left3A_154, %shift_right_logical3A_157 : vector<8x1250xi32>
    %xor3A_159 = arith.xori %or3A_158, %add3A_151 : vector<8x1250xi32>
    %add3A_160 = arith.addi %add3A_151, %xor3A_159 : vector<8x1250xi32>
    %shift_left3A_161 = arith.constant 6 : i32
    %shift_left3A_162 = vector.broadcast %shift_left3A_161 : i32 to vector<8x1250xi32>
    %shift_left3A_163 = arith.shli %xor3A_159, %shift_left3A_162 : vector<8x1250xi32>
    %shift_right_logical3A_164 = arith.constant 26 : i32
    %shift_right_logical3A_165 = vector.broadcast %shift_right_logical3A_164 : i32 to vector<8x1250xi32>
    %shift_right_logical3A_166 = arith.shrui %xor3A_159, %shift_right_logical3A_165 : vector<8x1250xi32>
    %or3A_167 = arith.ori %shift_left3A_163, %shift_right_logical3A_166 : vector<8x1250xi32>
    %xor3A_168 = arith.xori %or3A_167, %add3A_160 : vector<8x1250xi32>
    %add3A_169 = arith.constant 0 : i32
    %add3A_170 = vector.broadcast %add3A_169 : i32 to vector<8x1250xi32>
    %add3A_171 = arith.addi %add3A_160, %add3A_170 : vector<8x1250xi32>
    %add3A_172 = arith.constant 45 : i32
    %add3A_173 = vector.broadcast %add3A_172 : i32 to vector<8x1250xi32>
    %add3A_174 = arith.addi %xor3A_168, %add3A_173 : vector<8x1250xi32>
    %add3A_175 = arith.addi %add3A_171, %add3A_174 : vector<8x1250xi32>
    %shift_left3A_176 = arith.constant 17 : i32
    %shift_left3A_177 = vector.broadcast %shift_left3A_176 : i32 to vector<8x1250xi32>
    %shift_left3A_178 = arith.shli %add3A_174, %shift_left3A_177 : vector<8x1250xi32>
    %shift_right_logical3A_179 = arith.constant 15 : i32
    %shift_right_logical3A_180 = vector.broadcast %shift_right_logical3A_179 : i32 to vector<8x1250xi32>
    %shift_right_logical3A_181 = arith.shrui %add3A_174, %shift_right_logical3A_180 : vector<8x1250xi32>
    %or3A_182 = arith.ori %shift_left3A_178, %shift_right_logical3A_181 : vector<8x1250xi32>
    %xor3A_183 = arith.xori %or3A_182, %add3A_175 : vector<8x1250xi32>
    %add3A_184 = arith.addi %add3A_175, %xor3A_183 : vector<8x1250xi32>
    %shift_left3A_185 = arith.constant 29 : i32
    %shift_left3A_186 = vector.broadcast %shift_left3A_185 : i32 to vector<8x1250xi32>
    %shift_left3A_187 = arith.shli %xor3A_183, %shift_left3A_186 : vector<8x1250xi32>
    %shift_right_logical3A_188 = arith.constant 3 : i32
    %shift_right_logical3A_189 = vector.broadcast %shift_right_logical3A_188 : i32 to vector<8x1250xi32>
    %shift_right_logical3A_190 = arith.shrui %xor3A_183, %shift_right_logical3A_189 : vector<8x1250xi32>
    %or3A_191 = arith.ori %shift_left3A_187, %shift_right_logical3A_190 : vector<8x1250xi32>
    %xor3A_192 = arith.xori %or3A_191, %add3A_184 : vector<8x1250xi32>
    %add3A_193 = arith.addi %add3A_184, %xor3A_192 : vector<8x1250xi32>
    %shift_left3A_194 = arith.constant 16 : i32
    %shift_left3A_195 = vector.broadcast %shift_left3A_194 : i32 to vector<8x1250xi32>
    %shift_left3A_196 = arith.shli %xor3A_192, %shift_left3A_195 : vector<8x1250xi32>
    %shift_right_logical3A_197 = arith.constant 16 : i32
    %shift_right_logical3A_198 = vector.broadcast %shift_right_logical3A_197 : i32 to vector<8x1250xi32>
    %shift_right_logical3A_199 = arith.shrui %xor3A_192, %shift_right_logical3A_198 : vector<8x1250xi32>
    %or3A_200 = arith.ori %shift_left3A_196, %shift_right_logical3A_199 : vector<8x1250xi32>
    %xor3A_201 = arith.xori %or3A_200, %add3A_193 : vector<8x1250xi32>
    %add3A_202 = arith.addi %add3A_193, %xor3A_201 : vector<8x1250xi32>
    %shift_left3A_203 = arith.constant 24 : i32
    %shift_left3A_204 = vector.broadcast %shift_left3A_203 : i32 to vector<8x1250xi32>
    %shift_left3A_205 = arith.shli %xor3A_201, %shift_left3A_204 : vector<8x1250xi32>
    %shift_right_logical3A_206 = arith.constant 8 : i32
    %shift_right_logical3A_207 = vector.broadcast %shift_right_logical3A_206 : i32 to vector<8x1250xi32>
    %shift_right_logical3A_208 = arith.shrui %xor3A_201, %shift_right_logical3A_207 : vector<8x1250xi32>
    %or3A_209 = arith.ori %shift_left3A_205, %shift_right_logical3A_208 : vector<8x1250xi32>
    %xor3A_210 = arith.xori %or3A_209, %add3A_202 : vector<8x1250xi32>
    %add3A_211 = arith.constant 42 : i32
    %add3A_212 = vector.broadcast %add3A_211 : i32 to vector<8x1250xi32>
    %add3A_213 = arith.addi %add3A_202, %add3A_212 : vector<8x1250xi32>
    %add3A_214 = arith.constant 466689012 : i32
    %add3A_215 = vector.broadcast %add3A_214 : i32 to vector<8x1250xi32>
    %add3A_216 = arith.addi %xor3A_210, %add3A_215 : vector<8x1250xi32>
    %add3A_217 = arith.addi %add3A_213, %add3A_216 : vector<8x1250xi32>
    %shift_left3A_218 = arith.constant 13 : i32
    %shift_left3A_219 = vector.broadcast %shift_left3A_218 : i32 to vector<8x1250xi32>
    %shift_left3A_220 = arith.shli %add3A_216, %shift_left3A_219 : vector<8x1250xi32>
    %shift_right_logical3A_221 = arith.constant 19 : i32
    %shift_right_logical3A_222 = vector.broadcast %shift_right_logical3A_221 : i32 to vector<8x1250xi32>
    %shift_right_logical3A_223 = arith.shrui %add3A_216, %shift_right_logical3A_222 : vector<8x1250xi32>
    %or3A_224 = arith.ori %shift_left3A_220, %shift_right_logical3A_223 : vector<8x1250xi32>
    %xor3A_225 = arith.xori %or3A_224, %add3A_217 : vector<8x1250xi32>
    %add3A_226 = arith.addi %add3A_217, %xor3A_225 : vector<8x1250xi32>
    %shift_left3A_227 = arith.constant 15 : i32
    %shift_left3A_228 = vector.broadcast %shift_left3A_227 : i32 to vector<8x1250xi32>
    %shift_left3A_229 = arith.shli %xor3A_225, %shift_left3A_228 : vector<8x1250xi32>
    %shift_right_logical3A_230 = arith.constant 17 : i32
    %shift_right_logical3A_231 = vector.broadcast %shift_right_logical3A_230 : i32 to vector<8x1250xi32>
    %shift_right_logical3A_232 = arith.shrui %xor3A_225, %shift_right_logical3A_231 : vector<8x1250xi32>
    %or3A_233 = arith.ori %shift_left3A_229, %shift_right_logical3A_232 : vector<8x1250xi32>
    %xor3A_234 = arith.xori %or3A_233, %add3A_226 : vector<8x1250xi32>
    %add3A_235 = arith.addi %add3A_226, %xor3A_234 : vector<8x1250xi32>
    %shift_left3A_236 = arith.constant 26 : i32
    %shift_left3A_237 = vector.broadcast %shift_left3A_236 : i32 to vector<8x1250xi32>
    %shift_left3A_238 = arith.shli %xor3A_234, %shift_left3A_237 : vector<8x1250xi32>
    %shift_right_logical3A_239 = arith.constant 6 : i32
    %shift_right_logical3A_240 = vector.broadcast %shift_right_logical3A_239 : i32 to vector<8x1250xi32>
    %shift_right_logical3A_241 = arith.shrui %xor3A_234, %shift_right_logical3A_240 : vector<8x1250xi32>
    %or3A_242 = arith.ori %shift_left3A_238, %shift_right_logical3A_241 : vector<8x1250xi32>
    %xor3A_243 = arith.xori %or3A_242, %add3A_235 : vector<8x1250xi32>
    %add3A_244 = arith.addi %add3A_235, %xor3A_243 : vector<8x1250xi32>
    %shift_left3A_245 = arith.constant 6 : i32
    %shift_left3A_246 = vector.broadcast %shift_left3A_245 : i32 to vector<8x1250xi32>
    %shift_left3A_247 = arith.shli %xor3A_243, %shift_left3A_246 : vector<8x1250xi32>
    %shift_right_logical3A_248 = arith.constant 26 : i32
    %shift_right_logical3A_249 = vector.broadcast %shift_right_logical3A_248 : i32 to vector<8x1250xi32>
    %shift_right_logical3A_250 = arith.shrui %xor3A_243, %shift_right_logical3A_249 : vector<8x1250xi32>
    %or3A_251 = arith.ori %shift_left3A_247, %shift_right_logical3A_250 : vector<8x1250xi32>
    %xor3A_252 = arith.xori %or3A_251, %add3A_244 : vector<8x1250xi32>
    %add3A_253 = arith.constant 466689008 : i32
    %add3A_254 = vector.broadcast %add3A_253 : i32 to vector<8x1250xi32>
    %add3A_255 = arith.addi %add3A_244, %add3A_254 : vector<8x1250xi32>
    %add3A_256 = arith.constant 5 : i32
    %add3A_257 = vector.broadcast %add3A_256 : i32 to vector<8x1250xi32>
    %add3A_258 = arith.addi %xor3A_252, %add3A_257 : vector<8x1250xi32>
    %xor3A_259 = arith.xori %add3A_255, %add3A_258 : vector<8x1250xi32>
    %shift_right_logical3A_260 = arith.constant 9 : i32
    %shift_right_logical3A_261 = vector.broadcast %shift_right_logical3A_260 : i32 to vector<8x1250xi32>
    %shift_right_logical3A_262 = arith.shrui %xor3A_259, %shift_right_logical3A_261 : vector<8x1250xi32>
    %gt3A = arith.constant 419430 : i32
    %gt3A_263 = vector.broadcast %gt3A : i32 to vector<8x1250xi32>
    %gt3A_264 = arith.cmpi ugt, %shift_right_logical3A_262, %gt3A_263 : vector<8x1250xi32>
    %slice3A = vector.extract_strided_slice %gt3A_264 {offsets = [0, 0], sizes = [1, 1250], strides = [1, 1]} : vector<8x1250xi1> to vector<1x1250xi1>
    %squeeze3A = vector.shape_cast %slice3A : vector<1x1250xi1> to vector<1250xi1>
    %swap3A = arith.constant 0 : index
    %swap3A_265 = vector.load %arg4[%swap3A] : memref<10000xi32, #tpu.memory_space<vmem>>, vector<1250xi32>
    %swap3A_266 = arith.extui %squeeze3A : vector<1250xi1> to vector<1250xi32>
    %swap3A_267 = arith.constant dense<0> : vector<1250xi32>
    %swap3A_268 = arith.cmpi ne, %swap3A_265, %swap3A_267 : vector<1250xi32>
    tpu.vector_store %arg4[%swap3A], %swap3A_266 {strides = array<i32>} : memref<10000xi32, #tpu.memory_space<vmem>>, vector<1250xi32>,
    %swap3A_269 = arith.constant 0 : index
    %swap3A_270 = vector.load %arg5[%swap3A_269] : memref<10000xi32, #tpu.memory_space<vmem>>, vector<1250xi32>
    %swap3A_271 = arith.extui %squeeze3A : vector<1250xi1> to vector<1250xi32>
    %swap3A_272 = arith.constant dense<0> : vector<1250xi32>
    %swap3A_273 = arith.cmpi ne, %swap3A_270, %swap3A_272 : vector<1250xi32>
    tpu.vector_store %arg5[%swap3A_269], %swap3A_271 {strides = array<i32>} : memref<10000xi32, #tpu.memory_space<vmem>>, vector<1250xi32>,
    %slice3A_274 = vector.extract_strided_slice %gt3A_264 {offsets = [1, 0], sizes = [1, 1250], strides = [1, 1]} : vector<8x1250xi1> to vector<1x1250xi1>
    %squeeze3A_275 = vector.shape_cast %slice3A_274 : vector<1x1250xi1> to vector<1250xi1>
    %swap3A_276 = arith.constant 1250 : index
    %swap3A_277 = vector.load %arg4[%swap3A_276] : memref<10000xi32, #tpu.memory_space<vmem>>, vector<1250xi32>
    %swap3A_278 = arith.extui %squeeze3A_275 : vector<1250xi1> to vector<1250xi32>
    %swap3A_279 = arith.constant dense<0> : vector<1250xi32>
    %swap3A_280 = arith.cmpi ne, %swap3A_277, %swap3A_279 : vector<1250xi32>
    tpu.vector_store %arg4[%swap3A_276], %swap3A_278 {strides = array<i32>} : memref<10000xi32, #tpu.memory_space<vmem>>, vector<1250xi32>,
    %swap3A_281 = arith.constant 1250 : index
    %swap3A_282 = vector.load %arg5[%swap3A_281] : memref<10000xi32, #tpu.memory_space<vmem>>, vector<1250xi32>
    %swap3A_283 = arith.extui %squeeze3A_275 : vector<1250xi1> to vector<1250xi32>
    %swap3A_284 = arith.constant dense<0> : vector<1250xi32>
    %swap3A_285 = arith.cmpi ne, %swap3A_282, %swap3A_284 : vector<1250xi32>
    tpu.vector_store %arg5[%swap3A_281], %swap3A_283 {strides = array<i32>} : memref<10000xi32, #tpu.memory_space<vmem>>, vector<1250xi32>,
    %slice3A_286 = vector.extract_strided_slice %gt3A_264 {offsets = [2, 0], sizes = [1, 1250], strides = [1, 1]} : vector<8x1250xi1> to vector<1x1250xi1>
    %squeeze3A_287 = vector.shape_cast %slice3A_286 : vector<1x1250xi1> to vector<1250xi1>
    %swap3A_288 = arith.constant 2500 : index
    %swap3A_289 = vector.load %arg4[%swap3A_288] : memref<10000xi32, #tpu.memory_space<vmem>>, vector<1250xi32>
    %swap3A_290 = arith.extui %squeeze3A_287 : vector<1250xi1> to vector<1250xi32>
    %swap3A_291 = arith.constant dense<0> : vector<1250xi32>
    %swap3A_292 = arith.cmpi ne, %swap3A_289, %swap3A_291 : vector<1250xi32>
    tpu.vector_store %arg4[%swap3A_288], %swap3A_290 {strides = array<i32>} : memref<10000xi32, #tpu.memory_space<vmem>>, vector<1250xi32>,
    %swap3A_293 = arith.constant 2500 : index
    %swap3A_294 = vector.load %arg5[%swap3A_293] : memref<10000xi32, #tpu.memory_space<vmem>>, vector<1250xi32>
    %swap3A_295 = arith.extui %squeeze3A_287 : vector<1250xi1> to vector<1250xi32>
    %swap3A_296 = arith.constant dense<0> : vector<1250xi32>
    %swap3A_297 = arith.cmpi ne, %swap3A_294, %swap3A_296 : vector<1250xi32>
    tpu.vector_store %arg5[%swap3A_293], %swap3A_295 {strides = array<i32>} : memref<10000xi32, #tpu.memory_space<vmem>>, vector<1250xi32>,
    %slice3A_298 = vector.extract_strided_slice %gt3A_264 {offsets = [3, 0], sizes = [1, 1250], strides = [1, 1]} : vector<8x1250xi1> to vector<1x1250xi1>
    %squeeze3A_299 = vector.shape_cast %slice3A_298 : vector<1x1250xi1> to vector<1250xi1>
    %swap3A_300 = arith.constant 3750 : index
    %swap3A_301 = vector.load %arg4[%swap3A_300] : memref<10000xi32, #tpu.memory_space<vmem>>, vector<1250xi32>
    %swap3A_302 = arith.extui %squeeze3A_299 : vector<1250xi1> to vector<1250xi32>
    %swap3A_303 = arith.constant dense<0> : vector<1250xi32>
    %swap3A_304 = arith.cmpi ne, %swap3A_301, %swap3A_303 : vector<1250xi32>
    tpu.vector_store %arg4[%swap3A_300], %swap3A_302 {strides = array<i32>} : memref<10000xi32, #tpu.memory_space<vmem>>, vector<1250xi32>,
    %swap3A_305 = arith.constant 3750 : index
    %swap3A_306 = vector.load %arg5[%swap3A_305] : memref<10000xi32, #tpu.memory_space<vmem>>, vector<1250xi32>
    %swap3A_307 = arith.extui %squeeze3A_299 : vector<1250xi1> to vector<1250xi32>
    %swap3A_308 = arith.constant dense<0> : vector<1250xi32>
    %swap3A_309 = arith.cmpi ne, %swap3A_306, %swap3A_308 : vector<1250xi32>
    tpu.vector_store %arg5[%swap3A_305], %swap3A_307 {strides = array<i32>} : memref<10000xi32, #tpu.memory_space<vmem>>, vector<1250xi32>,
    %slice3A_310 = vector.extract_strided_slice %gt3A_264 {offsets = [4, 0], sizes = [1, 1250], strides = [1, 1]} : vector<8x1250xi1> to vector<1x1250xi1>
    %squeeze3A_311 = vector.shape_cast %slice3A_310 : vector<1x1250xi1> to vector<1250xi1>
    %swap3A_312 = arith.constant 5000 : index
    %swap3A_313 = vector.load %arg4[%swap3A_312] : memref<10000xi32, #tpu.memory_space<vmem>>, vector<1250xi32>
    %swap3A_314 = arith.extui %squeeze3A_311 : vector<1250xi1> to vector<1250xi32>
    %swap3A_315 = arith.constant dense<0> : vector<1250xi32>
    %swap3A_316 = arith.cmpi ne, %swap3A_313, %swap3A_315 : vector<1250xi32>
    tpu.vector_store %arg4[%swap3A_312], %swap3A_314 {strides = array<i32>} : memref<10000xi32, #tpu.memory_space<vmem>>, vector<1250xi32>,
    %swap3A_317 = arith.constant 5000 : index
    %swap3A_318 = vector.load %arg5[%swap3A_317] : memref<10000xi32, #tpu.memory_space<vmem>>, vector<1250xi32>
    %swap3A_319 = arith.extui %squeeze3A_311 : vector<1250xi1> to vector<1250xi32>
    %swap3A_320 = arith.constant dense<0> : vector<1250xi32>
    %swap3A_321 = arith.cmpi ne, %swap3A_318, %swap3A_320 : vector<1250xi32>
    tpu.vector_store %arg5[%swap3A_317], %swap3A_319 {strides = array<i32>} : memref<10000xi32, #tpu.memory_space<vmem>>, vector<1250xi32>,
    %slice3A_322 = vector.extract_strided_slice %gt3A_264 {offsets = [5, 0], sizes = [1, 1250], strides = [1, 1]} : vector<8x1250xi1> to vector<1x1250xi1>
    %squeeze3A_323 = vector.shape_cast %slice3A_322 : vector<1x1250xi1> to vector<1250xi1>
    %swap3A_324 = arith.constant 6250 : index
    %swap3A_325 = vector.load %arg4[%swap3A_324] : memref<10000xi32, #tpu.memory_space<vmem>>, vector<1250xi32>
    %swap3A_326 = arith.extui %squeeze3A_323 : vector<1250xi1> to vector<1250xi32>
    %swap3A_327 = arith.constant dense<0> : vector<1250xi32>
    %swap3A_328 = arith.cmpi ne, %swap3A_325, %swap3A_327 : vector<1250xi32>
    tpu.vector_store %arg4[%swap3A_324], %swap3A_326 {strides = array<i32>} : memref<10000xi32, #tpu.memory_space<vmem>>, vector<1250xi32>,
    %swap3A_329 = arith.constant 6250 : index
    %swap3A_330 = vector.load %arg5[%swap3A_329] : memref<10000xi32, #tpu.memory_space<vmem>>, vector<1250xi32>
    %swap3A_331 = arith.extui %squeeze3A_323 : vector<1250xi1> to vector<1250xi32>
    %swap3A_332 = arith.constant dense<0> : vector<1250xi32>
    %swap3A_333 = arith.cmpi ne, %swap3A_330, %swap3A_332 : vector<1250xi32>
    tpu.vector_store %arg5[%swap3A_329], %swap3A_331 {strides = array<i32>} : memref<10000xi32, #tpu.memory_space<vmem>>, vector<1250xi32>,
    %slice3A_334 = vector.extract_strided_slice %gt3A_264 {offsets = [6, 0], sizes = [1, 1250], strides = [1, 1]} : vector<8x1250xi1> to vector<1x1250xi1>
    %squeeze3A_335 = vector.shape_cast %slice3A_334 : vector<1x1250xi1> to vector<1250xi1>
    %swap3A_336 = arith.constant 7500 : index
    %swap3A_337 = vector.load %arg4[%swap3A_336] : memref<10000xi32, #tpu.memory_space<vmem>>, vector<1250xi32>
    %swap3A_338 = arith.extui %squeeze3A_335 : vector<1250xi1> to vector<1250xi32>
    %swap3A_339 = arith.constant dense<0> : vector<1250xi32>
    %swap3A_340 = arith.cmpi ne, %swap3A_337, %swap3A_339 : vector<1250xi32>
    tpu.vector_store %arg4[%swap3A_336], %swap3A_338 {strides = array<i32>} : memref<10000xi32, #tpu.memory_space<vmem>>, vector<1250xi32>,
    %swap3A_341 = arith.constant 7500 : index
    %swap3A_342 = vector.load %arg5[%swap3A_341] : memref<10000xi32, #tpu.memory_space<vmem>>, vector<1250xi32>
    %swap3A_343 = arith.extui %squeeze3A_335 : vector<1250xi1> to vector<1250xi32>
    %swap3A_344 = arith.constant dense<0> : vector<1250xi32>
    %swap3A_345 = arith.cmpi ne, %swap3A_342, %swap3A_344 : vector<1250xi32>
    tpu.vector_store %arg5[%swap3A_341], %swap3A_343 {strides = array<i32>} : memref<10000xi32, #tpu.memory_space<vmem>>, vector<1250xi32>,
    %slice3A_346 = vector.extract_strided_slice %gt3A_264 {offsets = [7, 0], sizes = [1, 1250], strides = [1, 1]} : vector<8x1250xi1> to vector<1x1250xi1>
    %squeeze3A_347 = vector.shape_cast %slice3A_346 : vector<1x1250xi1> to vector<1250xi1>
    %swap3A_348 = arith.constant 8750 : index
    %swap3A_349 = vector.load %arg4[%swap3A_348] : memref<10000xi32, #tpu.memory_space<vmem>>, vector<1250xi32>
    %swap3A_350 = arith.extui %squeeze3A_347 : vector<1250xi1> to vector<1250xi32>
    %swap3A_351 = arith.constant dense<0> : vector<1250xi32>
    %swap3A_352 = arith.cmpi ne, %swap3A_349, %swap3A_351 : vector<1250xi32>
    tpu.vector_store %arg4[%swap3A_348], %swap3A_350 {strides = array<i32>} : memref<10000xi32, #tpu.memory_space<vmem>>, vector<1250xi32>,
    %swap3A_353 = arith.constant 8750 : index
    %swap3A_354 = vector.load %arg5[%swap3A_353] : memref<10000xi32, #tpu.memory_space<vmem>>, vector<1250xi32>
    %swap3A_355 = arith.extui %squeeze3A_347 : vector<1250xi1> to vector<1250xi32>
    %swap3A_356 = arith.constant dense<0> : vector<1250xi32>
    %swap3A_357 = arith.cmpi ne, %swap3A_354, %swap3A_356 : vector<1250xi32>
    tpu.vector_store %arg5[%swap3A_353], %swap3A_355 {strides = array<i32>} : memref<10000xi32, #tpu.memory_space<vmem>>, vector<1250xi32>,
    %dma_wait3A = arith.constant 0 : i32
    %dma_wait3A_358 = arith.constant 0 : i32
    %dma_wait3A_359 = tpu.memref_slice %arg8[%dma_wait3A_358] : memref<5x!tpu.dma_semaphore, #tpu.memory_space<semaphore_mem>> -> memref<1x!tpu.dma_semaphore, #tpu.memory_space<semaphore_mem>>
    %dma_wait3A_360 = tpu.memref_squeeze %dma_wait3A_359 : memref<1x!tpu.dma_semaphore, #tpu.memory_space<semaphore_mem>> -> memref<!tpu.dma_semaphore, #tpu.memory_space<semaphore_mem>>
    %dma_wait3A_361 = arith.constant 0 : i32
    %dma_wait3A_362 = arith.constant 0 : i32
    %dma_wait3A_363 = tpu.memref_slice %arg6[%dma_wait3A, %dma_wait3A_361, %dma_wait3A_362] : memref<4x2500x128xf32, #tpu.memory_space<vmem>> -> memref<1x2500x128xf32, #tpu.memory_space<vmem>>
    %dma_wait3A_364 = tpu.memref_squeeze %dma_wait3A_363 : memref<1x2500x128xf32, #tpu.memory_space<vmem>> -> memref<2500x128xf32, #tpu.memory_space<vmem>>
    %dma_wait3A_365 = arith.constant 0 : i32
    %dma_wait3A_366 = arith.constant 0 : i32
    %dma_wait3A_367 = tpu.memref_slice %arg0[%dma_wait3A_365, %dma_wait3A_366] : memref<10000x128xf32, #tpu.memory_space<any>> -> memref<2500x128xf32, #tpu.memory_space<any>>
    tpu.wait_dma2 semaphore(%dma_wait3A_360 : memref<!tpu.dma_semaphore, #tpu.memory_space<semaphore_mem>>) src(%dma_wait3A_367 : memref<2500x128xf32, #tpu.memory_space<any>>) dst(%dma_wait3A_364 : memref<2500x128xf32, #tpu.memory_space<vmem>>)
    %dma_start3A_368 = arith.constant 0 : i32
    %dma_start3A_369 = arith.constant 0 : i32
    %dma_start3A_370 = tpu.memref_slice %arg9[%dma_start3A_369] : memref<5x!tpu.dma_semaphore, #tpu.memory_space<semaphore_mem>> -> memref<1x!tpu.dma_semaphore, #tpu.memory_space<semaphore_mem>>
    %dma_start3A_371 = tpu.memref_squeeze %dma_start3A_370 : memref<1x!tpu.dma_semaphore, #tpu.memory_space<semaphore_mem>> -> memref<!tpu.dma_semaphore, #tpu.memory_space<semaphore_mem>>
    %dma_start3A_372 = arith.constant 0 : i32
    %dma_start3A_373 = arith.constant 0 : i32
    %dma_start3A_374 = tpu.memref_slice %arg2[%dma_start3A_372, %dma_start3A_373] : memref<10000x128xf32, #tpu.memory_space<any>> -> memref<2500x128xf32, #tpu.memory_space<any>>
    %dma_start3A_375 = arith.constant 0 : i32
    %dma_start3A_376 = arith.constant 0 : i32
    %dma_start3A_377 = tpu.memref_slice %arg6[%dma_start3A_368, %dma_start3A_375, %dma_start3A_376] : memref<4x2500x128xf32, #tpu.memory_space<vmem>> -> memref<1x2500x128xf32, #tpu.memory_space<vmem>>
    %dma_start3A_378 = tpu.memref_squeeze %dma_start3A_377 : memref<1x2500x128xf32, #tpu.memory_space<vmem>> -> memref<2500x128xf32, #tpu.memory_space<vmem>>
    tpu.enqueue_dma source(%dma_start3A_378 : memref<2500x128xf32, #tpu.memory_space<vmem>>) target(%dma_start3A_374 : memref<2500x128xf32, #tpu.memory_space<any>>) target_semaphore(%dma_start3A_371 : memref<!tpu.dma_semaphore, #tpu.memory_space<semaphore_mem>>)
    %dma_wait3A_379 = arith.constant 1 : i32
    %dma_wait3A_380 = arith.constant 1 : i32
    %dma_wait3A_381 = tpu.memref_slice %arg8[%dma_wait3A_380] : memref<5x!tpu.dma_semaphore, #tpu.memory_space<semaphore_mem>> -> memref<1x!tpu.dma_semaphore, #tpu.memory_space<semaphore_mem>>
    %dma_wait3A_382 = tpu.memref_squeeze %dma_wait3A_381 : memref<1x!tpu.dma_semaphore, #tpu.memory_space<semaphore_mem>> -> memref<!tpu.dma_semaphore, #tpu.memory_space<semaphore_mem>>
    %dma_wait3A_383 = arith.constant 0 : i32
    %dma_wait3A_384 = arith.constant 0 : i32
    %dma_wait3A_385 = tpu.memref_slice %arg6[%dma_wait3A_379, %dma_wait3A_383, %dma_wait3A_384] : memref<4x2500x128xf32, #tpu.memory_space<vmem>> -> memref<1x2500x128xf32, #tpu.memory_space<vmem>>
    %dma_wait3A_386 = tpu.memref_squeeze %dma_wait3A_385 : memref<1x2500x128xf32, #tpu.memory_space<vmem>> -> memref<2500x128xf32, #tpu.memory_space<vmem>>
    %dma_wait3A_387 = arith.constant 2500 : i32
    %dma_wait3A_388 = arith.constant 0 : i32
    %dma_wait3A_389 = tpu.memref_slice %arg0[%dma_wait3A_387, %dma_wait3A_388] : memref<10000x128xf32, #tpu.memory_space<any>> -> memref<2500x128xf32, #tpu.memory_space<any>>
    tpu.wait_dma2 semaphore(%dma_wait3A_382 : memref<!tpu.dma_semaphore, #tpu.memory_space<semaphore_mem>>) src(%dma_wait3A_389 : memref<2500x128xf32, #tpu.memory_space<any>>) dst(%dma_wait3A_386 : memref<2500x128xf32, #tpu.memory_space<vmem>>)
    %dma_start3A_390 = arith.constant 1 : i32
    %dma_start3A_391 = arith.constant 1 : i32
    %dma_start3A_392 = tpu.memref_slice %arg9[%dma_start3A_391] : memref<5x!tpu.dma_semaphore, #tpu.memory_space<semaphore_mem>> -> memref<1x!tpu.dma_semaphore, #tpu.memory_space<semaphore_mem>>
    %dma_start3A_393 = tpu.memref_squeeze %dma_start3A_392 : memref<1x!tpu.dma_semaphore, #tpu.memory_space<semaphore_mem>> -> memref<!tpu.dma_semaphore, #tpu.memory_space<semaphore_mem>>
    %dma_start3A_394 = arith.constant 2500 : i32
    %dma_start3A_395 = arith.constant 0 : i32
    %dma_start3A_396 = tpu.memref_slice %arg2[%dma_start3A_394, %dma_start3A_395] : memref<10000x128xf32, #tpu.memory_space<any>> -> memref<2500x128xf32, #tpu.memory_space<any>>
    %dma_start3A_397 = arith.constant 0 : i32
    %dma_start3A_398 = arith.constant 0 : i32
    %dma_start3A_399 = tpu.memref_slice %arg6[%dma_start3A_390, %dma_start3A_397, %dma_start3A_398] : memref<4x2500x128xf32, #tpu.memory_space<vmem>> -> memref<1x2500x128xf32, #tpu.memory_space<vmem>>
    %dma_start3A_400 = tpu.memref_squeeze %dma_start3A_399 : memref<1x2500x128xf32, #tpu.memory_space<vmem>> -> memref<2500x128xf32, #tpu.memory_space<vmem>>
    tpu.enqueue_dma source(%dma_start3A_400 : memref<2500x128xf32, #tpu.memory_space<vmem>>) target(%dma_start3A_396 : memref<2500x128xf32, #tpu.memory_space<any>>) target_semaphore(%dma_start3A_393 : memref<!tpu.dma_semaphore, #tpu.memory_space<semaphore_mem>>)
    %dma_wait3A_401 = arith.constant 2 : i32
    %dma_wait3A_402 = arith.constant 2 : i32
    %dma_wait3A_403 = tpu.memref_slice %arg8[%dma_wait3A_402] : memref<5x!tpu.dma_semaphore, #tpu.memory_space<semaphore_mem>> -> memref<1x!tpu.dma_semaphore, #tpu.memory_space<semaphore_mem>>
    %dma_wait3A_404 = tpu.memref_squeeze %dma_wait3A_403 : memref<1x!tpu.dma_semaphore, #tpu.memory_space<semaphore_mem>> -> memref<!tpu.dma_semaphore, #tpu.memory_space<semaphore_mem>>
    %dma_wait3A_405 = arith.constant 0 : i32
    %dma_wait3A_406 = arith.constant 0 : i32
    %dma_wait3A_407 = tpu.memref_slice %arg6[%dma_wait3A_401, %dma_wait3A_405, %dma_wait3A_406] : memref<4x2500x128xf32, #tpu.memory_space<vmem>> -> memref<1x2500x128xf32, #tpu.memory_space<vmem>>
    %dma_wait3A_408 = tpu.memref_squeeze %dma_wait3A_407 : memref<1x2500x128xf32, #tpu.memory_space<vmem>> -> memref<2500x128xf32, #tpu.memory_space<vmem>>
    %dma_wait3A_409 = arith.constant 5000 : i32
    %dma_wait3A_410 = arith.constant 0 : i32
    %dma_wait3A_411 = tpu.memref_slice %arg0[%dma_wait3A_409, %dma_wait3A_410] : memref<10000x128xf32, #tpu.memory_space<any>> -> memref<2500x128xf32, #tpu.memory_space<any>>
    tpu.wait_dma2 semaphore(%dma_wait3A_404 : memref<!tpu.dma_semaphore, #tpu.memory_space<semaphore_mem>>) src(%dma_wait3A_411 : memref<2500x128xf32, #tpu.memory_space<any>>) dst(%dma_wait3A_408 : memref<2500x128xf32, #tpu.memory_space<vmem>>)
    %dma_start3A_412 = arith.constant 2 : i32
    %dma_start3A_413 = arith.constant 2 : i32
    %dma_start3A_414 = tpu.memref_slice %arg9[%dma_start3A_413] : memref<5x!tpu.dma_semaphore, #tpu.memory_space<semaphore_mem>> -> memref<1x!tpu.dma_semaphore, #tpu.memory_space<semaphore_mem>>
    %dma_start3A_415 = tpu.memref_squeeze %dma_start3A_414 : memref<1x!tpu.dma_semaphore, #tpu.memory_space<semaphore_mem>> -> memref<!tpu.dma_semaphore, #tpu.memory_space<semaphore_mem>>
    %dma_start3A_416 = arith.constant 5000 : i32
    %dma_start3A_417 = arith.constant 0 : i32
    %dma_start3A_418 = tpu.memref_slice %arg2[%dma_start3A_416, %dma_start3A_417] : memref<10000x128xf32, #tpu.memory_space<any>> -> memref<2500x128xf32, #tpu.memory_space<any>>
    %dma_start3A_419 = arith.constant 0 : i32
    %dma_start3A_420 = arith.constant 0 : i32
    %dma_start3A_421 = tpu.memref_slice %arg6[%dma_start3A_412, %dma_start3A_419, %dma_start3A_420] : memref<4x2500x128xf32, #tpu.memory_space<vmem>> -> memref<1x2500x128xf32, #tpu.memory_space<vmem>>
    %dma_start3A_422 = tpu.memref_squeeze %dma_start3A_421 : memref<1x2500x128xf32, #tpu.memory_space<vmem>> -> memref<2500x128xf32, #tpu.memory_space<vmem>>
    tpu.enqueue_dma source(%dma_start3A_422 : memref<2500x128xf32, #tpu.memory_space<vmem>>) target(%dma_start3A_418 : memref<2500x128xf32, #tpu.memory_space<any>>) target_semaphore(%dma_start3A_415 : memref<!tpu.dma_semaphore, #tpu.memory_space<semaphore_mem>>)
    %dma_wait3A_423 = arith.constant 3 : i32
    %dma_wait3A_424 = arith.constant 3 : i32
    %dma_wait3A_425 = tpu.memref_slice %arg8[%dma_wait3A_424] : memref<5x!tpu.dma_semaphore, #tpu.memory_space<semaphore_mem>> -> memref<1x!tpu.dma_semaphore, #tpu.memory_space<semaphore_mem>>
    %dma_wait3A_426 = tpu.memref_squeeze %dma_wait3A_425 : memref<1x!tpu.dma_semaphore, #tpu.memory_space<semaphore_mem>> -> memref<!tpu.dma_semaphore, #tpu.memory_space<semaphore_mem>>
    %dma_wait3A_427 = arith.constant 0 : i32
    %dma_wait3A_428 = arith.constant 0 : i32
    %dma_wait3A_429 = tpu.memref_slice %arg6[%dma_wait3A_423, %dma_wait3A_427, %dma_wait3A_428] : memref<4x2500x128xf32, #tpu.memory_space<vmem>> -> memref<1x2500x128xf32, #tpu.memory_space<vmem>>
    %dma_wait3A_430 = tpu.memref_squeeze %dma_wait3A_429 : memref<1x2500x128xf32, #tpu.memory_space<vmem>> -> memref<2500x128xf32, #tpu.memory_space<vmem>>
    %dma_wait3A_431 = arith.constant 7500 : i32
    %dma_wait3A_432 = arith.constant 0 : i32
    %dma_wait3A_433 = tpu.memref_slice %arg0[%dma_wait3A_431, %dma_wait3A_432] : memref<10000x128xf32, #tpu.memory_space<any>> -> memref<2500x128xf32, #tpu.memory_space<any>>
    tpu.wait_dma2 semaphore(%dma_wait3A_426 : memref<!tpu.dma_semaphore, #tpu.memory_space<semaphore_mem>>) src(%dma_wait3A_433 : memref<2500x128xf32, #tpu.memory_space<any>>) dst(%dma_wait3A_430 : memref<2500x128xf32, #tpu.memory_space<vmem>>)
    %dma_start3A_434 = arith.constant 3 : i32
    %dma_start3A_435 = arith.constant 3 : i32
    %dma_start3A_436 = tpu.memref_slice %arg9[%dma_start3A_435] : memref<5x!tpu.dma_semaphore, #tpu.memory_space<semaphore_mem>> -> memref<1x!tpu.dma_semaphore, #tpu.memory_space<semaphore_mem>>
    %dma_start3A_437 = tpu.memref_squeeze %dma_start3A_436 : memref<1x!tpu.dma_semaphore, #tpu.memory_space<semaphore_mem>> -> memref<!tpu.dma_semaphore, #tpu.memory_space<semaphore_mem>>
    %dma_start3A_438 = arith.constant 7500 : i32
    %dma_start3A_439 = arith.constant 0 : i32
    %dma_start3A_440 = tpu.memref_slice %arg2[%dma_start3A_438, %dma_start3A_439] : memref<10000x128xf32, #tpu.memory_space<any>> -> memref<2500x128xf32, #tpu.memory_space<any>>
    %dma_start3A_441 = arith.constant 0 : i32
    %dma_start3A_442 = arith.constant 0 : i32
    %dma_start3A_443 = tpu.memref_slice %arg6[%dma_start3A_434, %dma_start3A_441, %dma_start3A_442] : memref<4x2500x128xf32, #tpu.memory_space<vmem>> -> memref<1x2500x128xf32, #tpu.memory_space<vmem>>
    %dma_start3A_444 = tpu.memref_squeeze %dma_start3A_443 : memref<1x2500x128xf32, #tpu.memory_space<vmem>> -> memref<2500x128xf32, #tpu.memory_space<vmem>>
    tpu.enqueue_dma source(%dma_start3A_444 : memref<2500x128xf32, #tpu.memory_space<vmem>>) target(%dma_start3A_440 : memref<2500x128xf32, #tpu.memory_space<any>>) target_semaphore(%dma_start3A_437 : memref<!tpu.dma_semaphore, #tpu.memory_space<semaphore_mem>>)
    %dma_wait3A_445 = arith.constant 4 : i32
    %dma_wait3A_446 = tpu.memref_slice %arg8[%dma_wait3A_445] : memref<5x!tpu.dma_semaphore, #tpu.memory_space<semaphore_mem>> -> memref<1x!tpu.dma_semaphore, #tpu.memory_space<semaphore_mem>>
    %dma_wait3A_447 = tpu.memref_squeeze %dma_wait3A_446 : memref<1x!tpu.dma_semaphore, #tpu.memory_space<semaphore_mem>> -> memref<!tpu.dma_semaphore, #tpu.memory_space<semaphore_mem>>
    tpu.wait_dma2 semaphore(%dma_wait3A_447 : memref<!tpu.dma_semaphore, #tpu.memory_space<semaphore_mem>>) src(%arg1 : memref<10000xi32, #tpu.memory_space<any>>) dst(%arg7 : memref<10000xi32, #tpu.memory_space<vmem>>)
    %dma_start3A_448 = arith.constant 4 : i32
    %dma_start3A_449 = tpu.memref_slice %arg9[%dma_start3A_448] : memref<5x!tpu.dma_semaphore, #tpu.memory_space<semaphore_mem>> -> memref<1x!tpu.dma_semaphore, #tpu.memory_space<semaphore_mem>>
    %dma_start3A_450 = tpu.memref_squeeze %dma_start3A_449 : memref<1x!tpu.dma_semaphore, #tpu.memory_space<semaphore_mem>> -> memref<!tpu.dma_semaphore, #tpu.memory_space<semaphore_mem>>
    tpu.enqueue_dma source(%arg7 : memref<10000xi32, #tpu.memory_space<vmem>>) target(%arg3 : memref<10000xi32, #tpu.memory_space<any>>) target_semaphore(%dma_start3A_450 : memref<!tpu.dma_semaphore, #tpu.memory_space<semaphore_mem>>)
    %dma_wait3A_451 = arith.constant 0 : i32
    %dma_wait3A_452 = arith.constant 0 : i32
    %dma_wait3A_453 = tpu.memref_slice %arg9[%dma_wait3A_452] : memref<5x!tpu.dma_semaphore, #tpu.memory_space<semaphore_mem>> -> memref<1x!tpu.dma_semaphore, #tpu.memory_space<semaphore_mem>>
    %dma_wait3A_454 = tpu.memref_squeeze %dma_wait3A_453 : memref<1x!tpu.dma_semaphore, #tpu.memory_space<semaphore_mem>> -> memref<!tpu.dma_semaphore, #tpu.memory_space<semaphore_mem>>
    %dma_wait3A_455 = arith.constant 0 : i32
    %dma_wait3A_456 = arith.constant 0 : i32
    %dma_wait3A_457 = tpu.memref_slice %arg2[%dma_wait3A_455, %dma_wait3A_456] : memref<10000x128xf32, #tpu.memory_space<any>> -> memref<2500x128xf32, #tpu.memory_space<any>>
    %dma_wait3A_458 = arith.constant 0 : i32
    %dma_wait3A_459 = arith.constant 0 : i32
    %dma_wait3A_460 = tpu.memref_slice %arg6[%dma_wait3A_451, %dma_wait3A_458, %dma_wait3A_459] : memref<4x2500x128xf32, #tpu.memory_space<vmem>> -> memref<1x2500x128xf32, #tpu.memory_space<vmem>>
    %dma_wait3A_461 = tpu.memref_squeeze %dma_wait3A_460 : memref<1x2500x128xf32, #tpu.memory_space<vmem>> -> memref<2500x128xf32, #tpu.memory_space<vmem>>
    tpu.wait_dma2 semaphore(%dma_wait3A_454 : memref<!tpu.dma_semaphore, #tpu.memory_space<semaphore_mem>>) src(%dma_wait3A_461 : memref<2500x128xf32, #tpu.memory_space<vmem>>) dst(%dma_wait3A_457 : memref<2500x128xf32, #tpu.memory_space<any>>)
    %dma_wait3A_462 = arith.constant 1 : i32
    %dma_wait3A_463 = arith.constant 1 : i32
    %dma_wait3A_464 = tpu.memref_slice %arg9[%dma_wait3A_463] : memref<5x!tpu.dma_semaphore, #tpu.memory_space<semaphore_mem>> -> memref<1x!tpu.dma_semaphore, #tpu.memory_space<semaphore_mem>>
    %dma_wait3A_465 = tpu.memref_squeeze %dma_wait3A_464 : memref<1x!tpu.dma_semaphore, #tpu.memory_space<semaphore_mem>> -> memref<!tpu.dma_semaphore, #tpu.memory_space<semaphore_mem>>
    %dma_wait3A_466 = arith.constant 2500 : i32
    %dma_wait3A_467 = arith.constant 0 : i32
    %dma_wait3A_468 = tpu.memref_slice %arg2[%dma_wait3A_466, %dma_wait3A_467] : memref<10000x128xf32, #tpu.memory_space<any>> -> memref<2500x128xf32, #tpu.memory_space<any>>
    %dma_wait3A_469 = arith.constant 0 : i32
    %dma_wait3A_470 = arith.constant 0 : i32
    %dma_wait3A_471 = tpu.memref_slice %arg6[%dma_wait3A_462, %dma_wait3A_469, %dma_wait3A_470] : memref<4x2500x128xf32, #tpu.memory_space<vmem>> -> memref<1x2500x128xf32, #tpu.memory_space<vmem>>
    %dma_wait3A_472 = tpu.memref_squeeze %dma_wait3A_471 : memref<1x2500x128xf32, #tpu.memory_space<vmem>> -> memref<2500x128xf32, #tpu.memory_space<vmem>>
    tpu.wait_dma2 semaphore(%dma_wait3A_465 : memref<!tpu.dma_semaphore, #tpu.memory_space<semaphore_mem>>) src(%dma_wait3A_472 : memref<2500x128xf32, #tpu.memory_space<vmem>>) dst(%dma_wait3A_468 : memref<2500x128xf32, #tpu.memory_space<any>>)
    %dma_wait3A_473 = arith.constant 2 : i32
    %dma_wait3A_474 = arith.constant 2 : i32
    %dma_wait3A_475 = tpu.memref_slice %arg9[%dma_wait3A_474] : memref<5x!tpu.dma_semaphore, #tpu.memory_space<semaphore_mem>> -> memref<1x!tpu.dma_semaphore, #tpu.memory_space<semaphore_mem>>
    %dma_wait3A_476 = tpu.memref_squeeze %dma_wait3A_475 : memref<1x!tpu.dma_semaphore, #tpu.memory_space<semaphore_mem>> -> memref<!tpu.dma_semaphore, #tpu.memory_space<semaphore_mem>>
    %dma_wait3A_477 = arith.constant 5000 : i32
    %dma_wait3A_478 = arith.constant 0 : i32
    %dma_wait3A_479 = tpu.memref_slice %arg2[%dma_wait3A_477, %dma_wait3A_478] : memref<10000x128xf32, #tpu.memory_space<any>> -> memref<2500x128xf32, #tpu.memory_space<any>>
    %dma_wait3A_480 = arith.constant 0 : i32
    %dma_wait3A_481 = arith.constant 0 : i32
    %dma_wait3A_482 = tpu.memref_slice %arg6[%dma_wait3A_473, %dma_wait3A_480, %dma_wait3A_481] : memref<4x2500x128xf32, #tpu.memory_space<vmem>> -> memref<1x2500x128xf32, #tpu.memory_space<vmem>>
    %dma_wait3A_483 = tpu.memref_squeeze %dma_wait3A_482 : memref<1x2500x128xf32, #tpu.memory_space<vmem>> -> memref<2500x128xf32, #tpu.memory_space<vmem>>
    tpu.wait_dma2 semaphore(%dma_wait3A_476 : memref<!tpu.dma_semaphore, #tpu.memory_space<semaphore_mem>>) src(%dma_wait3A_483 : memref<2500x128xf32, #tpu.memory_space<vmem>>) dst(%dma_wait3A_479 : memref<2500x128xf32, #tpu.memory_space<any>>)
    %dma_wait3A_484 = arith.constant 3 : i32
    %dma_wait3A_485 = arith.constant 3 : i32
    %dma_wait3A_486 = tpu.memref_slice %arg9[%dma_wait3A_485] : memref<5x!tpu.dma_semaphore, #tpu.memory_space<semaphore_mem>> -> memref<1x!tpu.dma_semaphore, #tpu.memory_space<semaphore_mem>>
    %dma_wait3A_487 = tpu.memref_squeeze %dma_wait3A_486 : memref<1x!tpu.dma_semaphore, #tpu.memory_space<semaphore_mem>> -> memref<!tpu.dma_semaphore, #tpu.memory_space<semaphore_mem>>
    %dma_wait3A_488 = arith.constant 7500 : i32
    %dma_wait3A_489 = arith.constant 0 : i32
    %dma_wait3A_490 = tpu.memref_slice %arg2[%dma_wait3A_488, %dma_wait3A_489] : memref<10000x128xf32, #tpu.memory_space<any>> -> memref<2500x128xf32, #tpu.memory_space<any>>
    %dma_wait3A_491 = arith.constant 0 : i32
    %dma_wait3A_492 = arith.constant 0 : i32
    %dma_wait3A_493 = tpu.memref_slice %arg6[%dma_wait3A_484, %dma_wait3A_491, %dma_wait3A_492] : memref<4x2500x128xf32, #tpu.memory_space<vmem>> -> memref<1x2500x128xf32, #tpu.memory_space<vmem>>
    %dma_wait3A_494 = tpu.memref_squeeze %dma_wait3A_493 : memref<1x2500x128xf32, #tpu.memory_space<vmem>> -> memref<2500x128xf32, #tpu.memory_space<vmem>>
    tpu.wait_dma2 semaphore(%dma_wait3A_487 : memref<!tpu.dma_semaphore, #tpu.memory_space<semaphore_mem>>) src(%dma_wait3A_494 : memref<2500x128xf32, #tpu.memory_space<vmem>>) dst(%dma_wait3A_490 : memref<2500x128xf32, #tpu.memory_space<any>>)
    %dma_wait3A_495 = arith.constant 4 : i32
    %dma_wait3A_496 = tpu.memref_slice %arg9[%dma_wait3A_495] : memref<5x!tpu.dma_semaphore, #tpu.memory_space<semaphore_mem>> -> memref<1x!tpu.dma_semaphore, #tpu.memory_space<semaphore_mem>>
    %dma_wait3A_497 = tpu.memref_squeeze %dma_wait3A_496 : memref<1x!tpu.dma_semaphore, #tpu.memory_space<semaphore_mem>> -> memref<!tpu.dma_semaphore, #tpu.memory_space<semaphore_mem>>
    tpu.wait_dma2 semaphore(%dma_wait3A_497 : memref<!tpu.dma_semaphore, #tpu.memory_space<semaphore_mem>>) src(%arg7 : memref<10000xi32, #tpu.memory_space<vmem>>) dst(%arg3 : memref<10000xi32, #tpu.memory_space<any>>)
    return
  }
}

</mosaic_0001>

<sc_bundles>
// kernel: kernel.4.cloned.1.call-start
scs
__scs_entry_jumppad:
0x0: {  	(pc) =	sbr.rel $0x88, $3  }
0x1: {  	(tag) =	ssettag $0x0;
	lr =	simm.s32 $0x1  }
0x2: {  	[smem:$0x3F9E] =	sst lr;
	_ =	strace $0xD0000000  }
0x3: {  	_ = 	snop  }
0x4: {  	_ = 	snop  }
0x5: {  	_ = 	snop  }
0x6: {  	_ = 	snop  }
0x7: {  	_ = 	snop  }
__scs_overlays_trampoline_lowered:
0x8: {  	[smem:$0x3FAD] =	sst s0  }
0x9: {  	[smem:$0x3FAE] =	sst s1  }
0xa: {  	[smem:$0x3FAF] =	sst s2  }
0xb: {  	[smem:$0x3FB0] =	sst s3  }
0xc: {  	[smem:$0x3FB1] =	sst s4  }
0xd: {  	[smem:$0x3FB2] =	sst s5  }
0xe: {  	[smem:$0x3FB3] =	sst s6  }
0xf: {  	[smem:$0x3FB4] =	sst s7  }
0x10: {  	[smem:$0x3FB5] =	sst s8  }
0x11: {  	[smem:$0x3FB6] =	sst s9;
	s0 =	simm.s32 @!p0 $0x0  }
0x12: {  	s1 =	sld [smem:$0x3F9C];
	s0 =	simm.s32 @p0 $0x1  }
0x13: {  	[smem:$0x3FB7] =	sst s0;
	s0 =	simm.s32 @!p1 $0x0  }
0x14: {  	s2 =	sld [smem:$0x3F9B];
	s0 =	simm.s32 @p1 $0x1  }
0x15: {  	[smem:$0x3FB8] =	sst s0;
	s0 =	simm.s32 @!p2 $0x0  }
0x16: {  	s3 =	sld [smem:$0x3FDB];
	s0 =	simm.s32 @p2 $0x1  }
0x17: {  	s4 =	simm.s32 $0x1BF5;
	[smem:$0x3FBA] =	sst s0  }
0x18: {  	s0 =	sld [smem:$0x3F9D];
	_ =	swait.ge [sflag:s4], $0x0  }
0x19: {  	s7 =	sld [smem:$0x3F9E]  }
0x1a: {  	s8 =	sadd.s32 $0xFFFFE003, lr  }
0x1b: {  	s9 =	sadd.s32 $0xFFFFFEF7, lr;
	s5 =	simm.s32 $0xFFFFFFFF;
	p2 =	slt.u32 s8, $0xFFFFF086  }
0x1c: {  	p1 =	slt.u32 s9, $0xF7A;
	s5 =	simm.s32 @!p2 $0x0  }
0x1d: {  	s5 =	simm.s32 @p1 $0x1;
	p0 =	seq.s32 s7, s2  }
0x1e: {  	s7 =	smul.u32 @!p0 $0xF7A, s2;
	p2 =	seq.s32 @!p0 s5, $0x0  }
0x1f: {  	s9 =	smul.u32 $0xF7A, s1;
	s8 =	simm.s32 @!p0 $0x1BF5;
	p2 =	por !p2, p0  }
0x20: {  	[sflag:s8] =	ssyncset.s32 @!p0 $0xFFFFF086;
	s6 =	sadd.s32 @!p0 s3, s7;
	s7 =	simm.s32 @!p0 $0x108  }
0x21: {  	s3 =	sadd.s32 s3, s9;
	s6 =	sadd.s32 @!p0 $0x88, s6;
	s7 =	simm.s32 @p2 $0x1082  }
0x22: {  	[simem:s7], [sflag:s8] =	dma.local @!p0 [hbm:s6], $0xF7A  }
0x23: {  	s9 =	sor.u32 $0xD0000000, s2;
	s6 =	simm.s32 $0x108;
	_ =	swait.ge @!p0 [sflag:s8], $0x0  }
0x24: {  	s3 =	sadd.s32 $0x88, s3;
	s6 =	simm.s32 @!p1 $0x1082;
	[sflag:s4] =	ssyncset.s32 $0xFFFFF086  }
0x25: {  	[simem:s6], [sflag:s4] =	dma.local [hbm:s3], $0xF7A  }
0x26: {  	[smem:$0x3F9E] =	sst s1;
	(tag) =	ssettag s2;
	_ =	strace s9  }
0x27: {  	s1 =	sld [smem:$0x3FAE]  }
0x28: {  	s2 =	sld [smem:$0x3FAF]  }
0x29: {  	s4 =	sld [smem:$0x3FB1]  }
0x2a: {  	p0 =	seq.s32 s5, $0x0;
	s5 =	sld [smem:$0x3FB2]  }
0x2b: {  	s6 =	sld [smem:$0x3FB3]  }
0x2c: {  	s7 =	sld [smem:$0x3FB4]  }
0x2d: {  	s3 =	simm.s32 $0x108;
	s8 =	sld [smem:$0x3FB5]  }
0x2e: {  	s3 =	simm.s32 @!p0 $0x1082;
	s9 =	sld [smem:$0x3FB6]  }
0x2f: {  	lr =	sadd.s32 s0, s3;
	s0 =	sld [smem:$0x3FAD]  }
0x30: {  	s3 =	sld [smem:$0x3FB0]  }
0x31: {  	[smem:$0x3FB9] =	sst s10  }
0x32: {  	s10 =	sld [smem:$0x3FB7];
	_ =	sdelay $0x3  }
0x33: {  	p0 =	seq.s32 s10, $0x1;
	s10 =	sld [smem:$0x3FB9];
	_ =	sdelay $0x3  }
0x34: {  	[smem:$0x3FB9] =	sst s10  }
0x35: {  	s10 =	sld [smem:$0x3FB8];
	_ =	sdelay $0x3  }
0x36: {  	p1 =	seq.s32 s10, $0x1;
	s10 =	sld [smem:$0x3FB9];
	_ =	sdelay $0x3  }
0x37: {  	[smem:$0x3FB9] =	sst s10  }
0x38: {  	s10 =	sld [smem:$0x3FBA]  }
0x39: {  	_ = 	snop;
	(pc) =	sbr.ind lr, $3  }
0x3a: {  	_ = 	snop  }
0x3b: {  	_ = 	snop  }
0x3c: {  	p2 =	seq.s32 s10, $0x1;
	s10 =	sld [smem:$0x3FB9]  }
0x3d: {  	_ =	shalt  }
0x3e: {  	_ =	shalt  }
0x3f: {  	_ =	shalt  }
0x40: {  	_ =	shalt  }
0x41: {  	_ =	shalt  }
0x42: {  	_ =	shalt  }
0x43: {  	_ =	shalt  }
0x44: {  	_ =	shalt  }
0x45: {  	_ =	shalt  }
0x46: {  	_ =	shalt  }
0x47: {  	_ =	shalt  }
0x48: {  	_ =	shalt  }
0x49: {  	_ =	shalt  }
0x4a: {  	_ =	shalt  }
0x4b: {  	_ =	shalt  }
0x4c: {  	_ =	shalt  }
0x4d: {  	_ =	shalt  }
0x4e: {  	_ =	shalt  }
0x4f: {  	_ =	shalt  }
0x50: {  	_ =	shalt  }
0x51: {  	_ =	shalt  }
0x52: {  	_ =	shalt  }
0x53: {  	_ =	shalt  }
0x54: {  	_ =	shalt  }
0x55: {  	_ =	shalt  }
0x56: {  	_ =	shalt  }
0x57: {  	_ =	shalt  }
0x58: {  	_ =	shalt  }
0x59: {  	_ =	shalt  }
0x5a: {  	_ =	shalt  }
0x5b: {  	_ =	shalt  }
0x5c: {  	_ =	shalt  }
0x5d: {  	_ =	shalt  }
0x5e: {  	_ =	shalt  }
0x5f: {  	_ =	shalt  }
0x60: {  	_ =	shalt  }
0x61: {  	_ =	shalt  }
0x62: {  	_ =	shalt  }
0x63: {  	_ =	shalt  }
0x64: {  	_ =	shalt  }
0x65: {  	_ =	shalt  }
0x66: {  	_ =	shalt  }
0x67: {  	_ =	shalt  }
0x68: {  	_ =	shalt  }
0x69: {  	_ =	shalt  }
0x6a: {  	_ =	shalt  }
0x6b: {  	_ =	shalt  }
0x6c: {  	_ =	shalt  }
0x6d: {  	_ =	shalt  }
0x6e: {  	_ =	shalt  }
0x6f: {  	_ =	shalt  }
0x70: {  	_ =	shalt  }
0x71: {  	_ =	shalt  }
0x72: {  	_ =	shalt  }
0x73: {  	_ =	shalt  }
0x74: {  	_ =	shalt  }
0x75: {  	_ =	shalt  }
0x76: {  	_ =	shalt  }
0x77: {  	_ =	shalt  }
0x78: {  	_ =	shalt  }
0x79: {  	_ =	shalt  }
0x7a: {  	_ =	shalt  }
0x7b: {  	_ =	shalt  }
0x7c: {  	_ =	shalt  }
0x7d: {  	_ =	shalt  }
0x7e: {  	_ =	shalt  }
0x7f: {  	_ =	shalt  }
0x80: {  	_ =	shalt  }
0x81: {  	_ =	shalt  }
0x82: {  	_ =	shalt  }
0x83: {  	_ =	shalt  }
0x84: {  	_ =	shalt  }
0x85: {  	_ =	shalt  }
0x86: {  	_ =	shalt  }
0x87: {  	_ =	shalt  }
.Lfunc_end0:
.L_simem_size_0:
called_computation_lowered:
.L_overlay_start_0:
0x88: {  	s2 =	sld [smem:$0x3FD9]  }
0x89: {  	s3 =	sld [smem:$0x3FFE];
	_ =	sdelay $0x1  }
0x8a: {  	s1 =	srdreg.scid  }
0x8b: {  	s0 =	sand.u32 $0x1, s1  }
0x8c: {  	s15 =	sshll.u32 s0, $0xA;
	s2 =	sadd.s32 s3, s2  }
0x8d: {  	s2 =	sadd.s32 s2, s15  }
0x8e: {  	[smem:$0x3FC5] =	sst s2  }
0x8f: {  	_ = 	snop  }
0x90: {  	s2 =	sld [smem:$0x3FD0];
	_ =	sdelay $0x2  }
0x91: {  	s4 =	simm.s32 $0xA;
	s5 =	simm.s32 $0x10;
	s16 =	sld [smem:$0x3FC7]  }
0x92: {  	[smem:s5], [sflag:s4] =	dma.local [hbm:s2], $0x1  }
0x93: {  	_ =	swait.eq [sflag:s4], $0x1  }
0x94: {  	[sflag:s4] =	ssyncset.done $0x0  }
0x95: {  	[sflag:s4] =	ssyncadd.s32 $0xFFFFFFFF  }
0x96: {  	s17 =	sld [smem:$0x11];
	(tm) =	ssettm $0x1  }
0x97: {  	s18 =	sld [smem:$0x3FFB];
	_ =	sdelay $0x3  }
0x98: {  	_ =	strace s18  }
0x99: {  	s4 =	sld [smem:$0x3FFC];
	_ =	sdelay $0x3  }
0x9a: {  	_ =	strace s4  }
0x9b: {  	s4 =	sld [smem:$0x3FFD];
	_ =	sdelay $0x3  }
0x9c: {  	_ =	strace s4  }
0x9d: {  	_ =	strace $0x8FFFFFFF  }
0x9e: {  	s19 =	sld [smem:$0x3FDB];
	_ =	sdelay $0x1  }
0x9f: {  	s20 =	simm.s32 $_scs_section_size  }
0xa0: {  	s6 =	simm.s32 $_size__tile_overlayer_lowered;
	s7 =	simm.s32 $_tile_overlayer_lowered  }
0xa1: {  	s23 =	simm.s32 $0x1BFF;
	s22 =	sshll.u32 s7, $0x1;
	s4 =	sadd.s32 s20, s19  }
0xa2: {  	s8 =	simm.s32 $0x0;
	s21 =	sshll.u32 s6, $0x1;
	s6 =	sadd.s32 s22, s4  }
0xa3: {  	[timem:s8], [sflag:s23] =	dma.local [hbm:s6], s21  }
0xa4: {  	_ =	swait.ge [sflag:s23], s21  }
0xa5: {  	s5 =	ssub.s32 $0x0, s21;
	[sflag:s23] =	ssyncset.done $0x0  }
0xa6: {  	[sflag:s23] =	ssyncadd.s32 s5;
	_ =	sdelay $0x1  }
0xa7: {  	s24 =	simm.s32 $0x1B8B  }
0xa8: {  	_ =	swait.ge [sflag:s24], $0x1  }
0xa9: {  	[sflag:s24] =	ssyncset.done $0x0  }
0xaa: {  	s25 =	simm.s32 $0x1B8E;
	[sflag:s24] =	ssyncadd.s32 $0xFFFFFFFF  }
0xab: {  	s26 =	simm.s32 $execute0_lowered;
	[smem:$0x3FD2] =	sst s25  }
0xac: {  	s5 =	sshll.u32 s26, $0x1;
	_ =	strace $0x80000046;
	[dreg:$0x1] =	wrdreg $0xFFFFFFFF  }
0xad: {  	s28 =	simm.s32 $_size_execute0_lowered;
	s4 =	sadd.s32 s4, s5;
	[dreg:$0x0] =	wrdreg $0x0  }
0xae: {  	s5 =	sshll.u32 s28, $0x1;
	[dreg:$0x2] =	wrdreg s4  }
0xaf: {  	[dreg:$0x3] =	wrdreg s5  }
0xb0: {  	[dreg:$0x4] =	wrdreg $0xC0  }
0xb1: {  	_ =	task [dreg:s8], $0x5FFFF  }
0xb2: {  	[dreg:$0x1] =	wrdreg $0xFFFFFFFF  }
0xb3: {  	[dreg:$0x0] =	wrdreg $0x60  }
0xb4: {  	[dreg:$0x2] =	wrdreg s16  }
0xb5: {  	[dreg:$0x3] =	wrdreg s17  }
0xb6: {  	[dreg:$0x4] =	wrdreg $0x9  }
0xb7: {  	_ =	task.clear_ibuf [dreg:s8], $0x5FFFF;
	_ =	strace $0x90000046  }
0xb8: {  	s29 =	simm.s32 $0x9;
	_ =	strace $0x80000048  }
0xb9: {  	_ =	swait.ge [sflag:s29], $0x1  }
0xba: {  	[sflag:s29] =	ssyncadd.s32 $0xFFFFFFFF  }
0xbb: {  	_ =	strace $0x90000048  }
0xbc: {  	_ =	sfence  }
0xbd: {  	s30 =	sld [smem:$0x0];
	_ =	sdelay $0x2  }
0xbe: {  	s31 =	sshll.u32 s1, $0xD;
	s1 =	sshrl.u32 s1, $0x2  }
0xbf: {  	s3 =	sand.u32 $0x4000, s31;
	s1 =	sadd.s32 s1, s30  }
0xc0: {  	s0 =	sor.u32 s3, s0;
	s1 =	sshll.u32 s1, $0x11  }
0xc1: {  	s0 =	sor.u32 s1, s0  }
0xc2: {  	s0 =	sadd.s32 $0x8F2B, s0  }
0xc3: {  	[sflag:s0] =	ssyncadd.remote.s32 $0x1  }
0xc4: {  	_ =	sfence.sel $0xFFFF  }
0xc5: {  	[dreg:$0x0] =	wrdreg $0xFFFFFFFF;
	(pc) =	sbr.abs _section_cstart, $3  }
0xc6: {  	[dreg:$0x1] =	wrdreg $0xFFFFFFFF  }
0xc7: {  	_ =	task.clear_ibuf [dreg:s8], $0x2FFFF;
	_ =	strace $0x9FFFFFFF  }
0xc8: {  	(tm) =	ssettm $0x7FFFFFFF  }
0xc9: {  	_ =	shalt  }
tec
execute0_lowered:
.L_overlay_start_1:
0x0: {  	(tag) =	ssettag $0x1  }
0x1: {  	s1 =	srdreg.scid;
	s0 =	stileid.u32  }
0x2: {  	s4 =	sand.u32 $0x1, s1;
	s6 =	sshll.u32 s0, $0x1  }
0x3: {  	s6 =	sor.u32 s4, s6  }
0x4: {  	p0 =	sgt.u32 s6, $0x18  }
.Ltmp0:
0x5: {  	_ = 	snop;
	(pc) =	sbr.rel @p0 .LBB2_4-.Ltmp0, $4  }
0x6: {  	s3 =	rddreg [dreg:$0x0]  }
0x7: {  	s5 =	rddreg [dreg:$0x1];
	s2 =	simm.s32 $0x0  }
0x8: {  	[smem:$0x7FF] =	sst s2  }
0x9: {  	s1 =	rddreg [dreg:$0x2];
	_ =	strace $0x80000047  }
0xa: {  	s6 =	smul.u32 $0xC80, s6;
	s7 =	ssub.s32 $0x2, s4  }
0xb: {  	s8 =	sshrl.u32 s7, $0x1  }
0xc: {  	s4 =	sadd.s32 s3, s6;
	s7 =	ssub.s32 s7, s8  }
0xd: {  	[tilespmem:s2], [sflag:$0x1] =	stream.linear.gather [hbm4b:s4+s2], $0x6400, $0x38;
	[tilespmem:$0x6400] =	vst v63  }
0xe: {  	s3 =	simm.s32 $0x1;
	s31 =	smax.u32 s7, $0x1  }
0xf: {  	_ =	swait.ge [sflag:s3], $0x6400;
	p0 =	sne.s32 s31, $0x1  }
.Ltmp1:
0x10: {  	[sflag:s3] =	ssyncset.done $0x0;
	(pc) =	sbr.rel @!p0 .LBB2_3-.Ltmp1, $4  }
0x11: {  	s5 =	sadd.s32 s5, s6;
	[sflag:s3] =	ssyncadd.s32 $0xFFFF9C00  }
0x12: {  	[hbm4b:s5+s2] =	stream.linear.scatter [tilespmem:s2], [sflag:$0x1], $0x6400, $0x38;
	[tilespmem:$0x6400] =	vst v63  }
0x13: {  	_ =	swait.ge [sflag:s3], $0x6400  }
0x14: {  	s6 =	sadd.s32 $0xFFFFFFFF, s31;
	[sflag:s3] =	ssyncset.done $0x0  }
.LBB2_2:
0x15: {  	p0 =	sne.s32 s6, $0x1;
	s6 =	sadd.s32 $0xFFFFFFFF, s6;
	[sflag:s3] =	ssyncadd.s32 $0xFFFF9C00  }
0x16: {  	[tilespmem:s2], [sflag:$0x1] =	stream.linear.gather [hbm4b:s4+s2], $0x6400, $0x38;
	[tilespmem:$0x6400] =	vst v63  }
0x17: {  	_ =	swait.ge [sflag:s3], $0x6400  }
.Ltmp2:
0x18: {  	[sflag:s3] =	ssyncset.done $0x0;
	(pc) =	sbr.rel @p0 .LBB2_2-.Ltmp2, $4  }
0x19: {  	[sflag:s3] =	ssyncadd.s32 $0xFFFF9C00  }
0x1a: {  	[hbm4b:s5+s2] =	stream.linear.scatter [tilespmem:s2], [sflag:$0x1], $0x6400, $0x38;
	[tilespmem:$0x6400] =	vst v63  }
0x1b: {  	_ =	swait.ge [sflag:s3], $0x6400  }
0x1c: {  	[sflag:s3] =	ssyncset.done $0x0  }
.LBB2_3:
0x1d: {  	[sflag:s3] =	ssyncadd.s32 $0xFFFF9C00  }
.LBB2_4:
0x1e: {  	_ =	sfence.sel $0x180000  }
0x1f: {  	[bflag:$0x0] =	sbarrier.arrive $0xFFFF  }
0x20: {  	p0 =	sne.s32 s0, $0x0;
	_ =	strace $0x90000047  }
0x21: {  	s0 =	sadd.s32 @!p0 $0x100000, s1;
	[bflag:$0x2] =	sbarrier.arrive $0xFFFF  }
0x22: {  	[sflag:s0] =	ssyncadd.tile.s32 @!p0 $0x1;
	_ =	shalt  }
.Lfunc_end2:
_tile_overlayer_lowered:
.L_overlay_start_2:
0x23: {  	(tag) =	ssettag $0x2  }
0x24: {  	s0 =	rddreg [dreg:$0x0];
	s2 =	stileid.u32  }
0x25: {  	s1 =	rddreg [dreg:$0x1];
	p0 =	sne.s32 s2, $0x0  }
0x26: {  	s3 =	rddreg [dreg:$0x2];
	[bflag:$0x3] =	sbarrier.arrive $0xFFFF;
	s2 =	simm.s32 @!p0 $0x1C02  }
0x27: {  	[timem:s3], [sflag:s2] =	dma.local @!p0 [hbm:s0], s1  }
0x28: {  	s0 =	simm.s32 @!p0 $0x2  }
0x29: {  	_ =	swait.ge @!p0 [sflag:s0], s1  }
0x2a: {  	s1 =	ssub.s32 @!p0 $0x0, s1;
	[sflag:s0] =	ssyncset.done @!p0 $0x0  }
0x2b: {  	[sflag:s0] =	ssyncadd.s32 @!p0 s1  }
0x2c: {  	[bflag:$0x3] =	sbarrier.arrive $0xFFFF  }
0x2d: {  	_ =	shalt  }

</sc_bundles>
